<compile_context>
chip_gen: v7x
topology: tpu7x:2x2x1
jax: 0.10.2.dev20260603
libtpu: 0.0.44.dev20260713+nightly
codegen_flags: <defaults>
</compile_context>

<pallas_src>
import functools

import jax
import jax.numpy as jnp
from jax import lax
from jax.experimental import pallas as pl
from jax.experimental.pallas import tpu as pltpu
from jax.experimental.pallas import tpu_sc as plsc

_B, _N, _F = 16, 10000, 128
_E = 256
_NO = _N + _E
_HB = _NO // 2
_W = 32
_PW = (_B * _E) // _W


def _pool_body(x_hbm, idx_hbm, out_hbm, bufa, bufb, bufc, idx_v, psem, ssem):
    w = lax.axis_index("s") * 2 + lax.axis_index("c")
    pltpu.sync_copy(idx_hbm.at[w], idx_v)
    pltpu.async_copy(x_hbm.at[idx_v.at[0]], bufa, psem)
    pltpu.async_copy(x_hbm.at[idx_v.at[1]], bufb, psem)
    for _ in range(2):
        pltpu.make_async_copy(x_hbm.at[pl.ds(0, _PW), :], bufa, psem).wait()

    half = _PW // 2

    def _avg_span(lo):
        def _pair_avg(i, carry):
            e = lo + 2 * i
            for r_ in range(2):
                for c_ in range(8):
                    sl = pl.ds(c_ * 16, 16)
                    bufc[e + r_, sl] = 0.5 * (bufa[e + r_, sl] + bufb[e + r_, sl])
            return carry

        lax.fori_loop(0, half // 2, _pair_avg, 0)

    _avg_span(0)
    s0 = pltpu.make_async_copy(
        bufc.at[pl.ds(0, half), :], out_hbm.at[pl.ds(_PW * w, half), :], ssem
    )
    s0.start()
    _avg_span(half)
    s1 = pltpu.make_async_copy(
        bufc.at[pl.ds(half, half), :],
        out_hbm.at[pl.ds(_PW * w + half, half), :],
        ssem,
    )
    s1.start()
    s0.wait()
    s1.wait()


_pool_call = functools.partial(
    pl.kernel,
    out_type=jax.ShapeDtypeStruct((_B * _E, _F), jnp.float32),
    mesh=plsc.VectorSubcoreMesh(core_axis_name="c", subcore_axis_name="s"),
    scratch_types=[
        pltpu.VMEM((_PW, _F), jnp.float32),
        pltpu.VMEM((_PW, _F), jnp.float32),
        pltpu.VMEM((_PW, _F), jnp.float32),
        pltpu.VMEM((2, 128), jnp.int32),
        pltpu.SemaphoreType.DMA,
        pltpu.SemaphoreType.DMA,
    ],
)(_pool_body)


def _copy_body(in_ref, out_ref):
    out_ref[...] = in_ref[...]


def kernel(inputs, pool_idx):
    x_flat = inputs.reshape(_B * _N, _F)
    idx3 = jnp.stack(
        [pool_idx[:, 0].reshape(2, 128), pool_idx[:, 1].reshape(2, 128)], axis=1
    )
    idx_all = (
        idx3[None] + (jnp.arange(_B, dtype=jnp.int32) * _N)[:, None, None, None]
    ).reshape(_W, 2, 128)
    big = pl.pallas_call(
        _copy_body,
        grid=(_B, 2),
        in_specs=[pl.BlockSpec((1, _N // 2, _F), lambda b, c: (b, c, 0))],
        out_specs=pl.BlockSpec((1, _N // 2, _F), lambda b, c: (b, c, 0)),
        out_shape=jax.ShapeDtypeStruct((_B, _NO, _F), jnp.float32),
    )(inputs)
    add_feat = _pool_call(x_flat, idx_all).reshape(_B, _E, _F)
    return lax.dynamic_update_slice(big, add_feat, (0, _N, 0))

# --- scband reference (transcript-rebuilt; emitter-appended) ---
"""Pipeline reference for scband-graph-pooling-78709570667186 (READ-ONLY COPY).

The authoritative reference and input builder live on the scoring server;
editing this copy changes nothing except your own understanding.
"""

import jax, jax.numpy as jnp
import numpy as np

B, N, F = 16, 10000, 128
E = 256

def setup_inputs(seed: int = 0) -> dict:
    key = jax.random.key(seed)
    inputs = jax.random.normal(key, (B, N, F), dtype=jnp.float32)
    # pool_idx matches the init_kwargs literal: pairs [[0,1],[2,3],...,[510,511]]
    pool_idx = jnp.arange(2 * E, dtype=jnp.int32).reshape(E, 2)
    return {"inputs": inputs, "pool_idx": pool_idx}

def reference(inputs, pool_idx):
    # X[:, pool_idx] -> gather along node dim: [B, E, 2, F]
    gathered = jnp.take(inputs, pool_idx, axis=1)
    # 1/2 * sum over the pair dimension (dim 2): [B, E, F]
    add_feat = 0.5 * gathered.sum(axis=2)
    # cat along node dim: [B, N+E, F]
    output = jnp.concatenate([inputs, add_feat], axis=1)
    return output

if __name__ == "__main__":
    import jax
    _d = setup_inputs()
    print(jax.jit(kernel)(*tuple(_d.values())))

</pallas_src>

<mosaic_0001>
#map = affine_map<(d0, d1) -> (0, 0)>
#map1 = affine_map<(d0, d1) -> (0, 0, 0)>
module attributes {stable_mosaic.version = 14 : i64} {
  func.func @_pool_body(%arg0: i32, %arg1: i32, %arg2: memref<160000x128xf32, #tpu.memory_space<hbm>>, %arg3: memref<32x2x128xi32, #tpu.memory_space<hbm>>, %arg4: memref<4096x128xf32, #tpu.memory_space<hbm>>, %arg5: memref<128x128xf32, #tpu.memory_space<vmem>>, %arg6: memref<128x128xf32, #tpu.memory_space<vmem>>, %arg7: memref<128x128xf32, #tpu.memory_space<vmem>>, %arg8: memref<2x128xi32, #tpu.memory_space<vmem>>, %arg9: memref<!tpu.dma_semaphore, #tpu.memory_space<semaphore_mem>>, %arg10: memref<!tpu.dma_semaphore, #tpu.memory_space<semaphore_mem>>) attributes {dimension_semantics = [#tpu.dimension_semantics<core_parallel>, #tpu.dimension_semantics<subcore_parallel>], iteration_bounds = array<i64: 2, 16>, scalar_prefetch = 0 : i64, scratch_operands = 6 : i64, tpu.core_type = #tpu.core_type<sc_vector_subcore>, window_params = [{transform_indices = #map}, {transform_indices = #map1}, {transform_indices = #map}]} {
    %mul3A = arith.constant 2 : i32
    %mul3A_0 = arith.muli %arg1, %mul3A : i32
    %add3A = arith.addi %mul3A_0, %arg0 : i32
    "tpu.region"() ({
      %run_scoped3A = tpu.sem_alloc : memref<!tpu.dma_semaphore, #tpu.memory_space<semaphore_mem>>
      %dma_start3A_82 = arith.constant 0 : i32
      %dma_start3A_83 = arith.constant 0 : i32
      %dma_start3A_84 = tpu.memref_slice %arg3[%add3A, %dma_start3A_82, %dma_start3A_83] : memref<32x2x128xi32, #tpu.memory_space<hbm>> -> memref<1x2x128xi32, #tpu.memory_space<hbm>>
      %dma_start3A_85 = tpu.memref_squeeze %dma_start3A_84 : memref<1x2x128xi32, #tpu.memory_space<hbm>> -> memref<2x128xi32, #tpu.memory_space<hbm>>
      %dma_start3A_86 = arith.constant 0 : i32
      %dma_start3A_87 = arith.constant 0 : i32
      %dma_start3A_88 = tpu.memref_slice %arg3[%add3A, %dma_start3A_86, %dma_start3A_87] : memref<32x2x128xi32, #tpu.memory_space<hbm>> -> memref<1x2x128xi32, #tpu.memory_space<hbm>>
      %dma_start3A_89 = tpu.memref_squeeze %dma_start3A_88 : memref<1x2x128xi32, #tpu.memory_space<hbm>> -> memref<2x128xi32, #tpu.memory_space<hbm>>
      tpu.enqueue_dma source(%dma_start3A_89 : memref<2x128xi32, #tpu.memory_space<hbm>>) target(%arg8 : memref<2x128xi32, #tpu.memory_space<vmem>>) target_semaphore(%run_scoped3A : memref<!tpu.dma_semaphore, #tpu.memory_space<semaphore_mem>>)
      %dma_wait3A_90 = arith.constant 0 : i32
      %dma_wait3A_91 = arith.constant 0 : i32
      %dma_wait3A_92 = tpu.memref_slice %arg3[%add3A, %dma_wait3A_90, %dma_wait3A_91] : memref<32x2x128xi32, #tpu.memory_space<hbm>> -> memref<1x2x128xi32, #tpu.memory_space<hbm>>
      %dma_wait3A_93 = tpu.memref_squeeze %dma_wait3A_92 : memref<1x2x128xi32, #tpu.memory_space<hbm>> -> memref<2x128xi32, #tpu.memory_space<hbm>>
      %dma_wait3A_94 = arith.constant 0 : i32
      %dma_wait3A_95 = arith.constant 0 : i32
      %dma_wait3A_96 = tpu.memref_slice %arg3[%add3A, %dma_wait3A_94, %dma_wait3A_95] : memref<32x2x128xi32, #tpu.memory_space<hbm>> -> memref<1x2x128xi32, #tpu.memory_space<hbm>>
      %dma_wait3A_97 = tpu.memref_squeeze %dma_wait3A_96 : memref<1x2x128xi32, #tpu.memory_space<hbm>> -> memref<2x128xi32, #tpu.memory_space<hbm>>
      tpu.wait_dma2 semaphore(%run_scoped3A : memref<!tpu.dma_semaphore, #tpu.memory_space<semaphore_mem>>) src(%dma_wait3A_97 : memref<2x128xi32, #tpu.memory_space<hbm>>) dst(%arg8 : memref<2x128xi32, #tpu.memory_space<vmem>>)
      tpu.yield
    }) : () -> ()
    %dma_start3A = arith.constant 0 : i32
    %dma_start3A_1 = arith.constant 0 : i32
    %dma_start3A_2 = tpu.memref_slice %arg8[%dma_start3A, %dma_start3A_1] : memref<2x128xi32, #tpu.memory_space<vmem>> -> memref<1x128xi32, #tpu.memory_space<vmem>>
    %dma_start3A_3 = tpu.memref_squeeze %dma_start3A_2 : memref<1x128xi32, #tpu.memory_space<vmem>> -> memref<128xi32, #tpu.memory_space<vmem>>
    %dma_start3A_4 = arith.constant 0 : i32
    %dma_start3A_5 = arith.constant 0 : i32
    %dma_start3A_6 = tpu.memref_slice %arg2[%dma_start3A_4, %dma_start3A_5] : memref<160000x128xf32, #tpu.memory_space<hbm>> -> memref<160000x128xf32, #tpu.memory_space<hbm>>
    tpu.enqueue_indirect_dma source(%dma_start3A_6 : memref<160000x128xf32, #tpu.memory_space<hbm>>) target(%arg5 : memref<128x128xf32, #tpu.memory_space<vmem>>) offsets(%dma_start3A_3 : memref<128xi32, #tpu.memory_space<vmem>>) semaphore(%arg9 : memref<!tpu.dma_semaphore, #tpu.memory_space<semaphore_mem>>)
    %dma_start3A_7 = arith.constant 1 : i32
    %dma_start3A_8 = arith.constant 0 : i32
    %dma_start3A_9 = tpu.memref_slice %arg8[%dma_start3A_7, %dma_start3A_8] : memref<2x128xi32, #tpu.memory_space<vmem>> -> memref<1x128xi32, #tpu.memory_space<vmem>>
    %dma_start3A_10 = tpu.memref_squeeze %dma_start3A_9 : memref<1x128xi32, #tpu.memory_space<vmem>> -> memref<128xi32, #tpu.memory_space<vmem>>
    %dma_start3A_11 = arith.constant 0 : i32
    %dma_start3A_12 = arith.constant 0 : i32
    %dma_start3A_13 = tpu.memref_slice %arg2[%dma_start3A_11, %dma_start3A_12] : memref<160000x128xf32, #tpu.memory_space<hbm>> -> memref<160000x128xf32, #tpu.memory_space<hbm>>
    tpu.enqueue_indirect_dma source(%dma_start3A_13 : memref<160000x128xf32, #tpu.memory_space<hbm>>) target(%arg6 : memref<128x128xf32, #tpu.memory_space<vmem>>) offsets(%dma_start3A_10 : memref<128xi32, #tpu.memory_space<vmem>>) semaphore(%arg9 : memref<!tpu.dma_semaphore, #tpu.memory_space<semaphore_mem>>)
    %dma_wait3A = arith.constant 0 : i32
    %dma_wait3A_14 = arith.constant 0 : i32
    %dma_wait3A_15 = tpu.memref_slice %arg2[%dma_wait3A, %dma_wait3A_14] : memref<160000x128xf32, #tpu.memory_space<hbm>> -> memref<128x128xf32, #tpu.memory_space<hbm>>
    %dma_wait3A_16 = arith.constant 0 : i32
    %dma_wait3A_17 = arith.constant 0 : i32
    %dma_wait3A_18 = tpu.memref_slice %arg2[%dma_wait3A_16, %dma_wait3A_17] : memref<160000x128xf32, #tpu.memory_space<hbm>> -> memref<128x128xf32, #tpu.memory_space<hbm>>
    tpu.wait_dma2 semaphore(%arg9 : memref<!tpu.dma_semaphore, #tpu.memory_space<semaphore_mem>>) src(%dma_wait3A_18 : memref<128x128xf32, #tpu.memory_space<hbm>>) dst(%arg5 : memref<128x128xf32, #tpu.memory_space<vmem>>)
    %dma_wait3A_19 = arith.constant 0 : i32
    %dma_wait3A_20 = arith.constant 0 : i32
    %dma_wait3A_21 = tpu.memref_slice %arg2[%dma_wait3A_19, %dma_wait3A_20] : memref<160000x128xf32, #tpu.memory_space<hbm>> -> memref<128x128xf32, #tpu.memory_space<hbm>>
    %dma_wait3A_22 = arith.constant 0 : i32
    %dma_wait3A_23 = arith.constant 0 : i32
    %dma_wait3A_24 = tpu.memref_slice %arg2[%dma_wait3A_22, %dma_wait3A_23] : memref<160000x128xf32, #tpu.memory_space<hbm>> -> memref<128x128xf32, #tpu.memory_space<hbm>>
    tpu.wait_dma2 semaphore(%arg9 : memref<!tpu.dma_semaphore, #tpu.memory_space<semaphore_mem>>) src(%dma_wait3A_24 : memref<128x128xf32, #tpu.memory_space<hbm>>) dst(%arg5 : memref<128x128xf32, #tpu.memory_space<vmem>>)
    %scan3A = arith.constant 0 : i32
    %scan3A_25 = arith.constant 0 : i32
    %scan3A_26 = arith.constant 32 : i32
    %scan3A_27 = arith.addi %scan3A_25, %scan3A_26 : i32
    %scan3A_28 = arith.constant 1 : i32
    scf.for %scan3A_82 = %scan3A_25 to %scan3A_27 step %scan3A_28  : i32 {
      %mul3A_83 = arith.constant 2 : i32
      %mul3A_84 = arith.muli %mul3A_83, %scan3A_82 : i32
      %add3A_85 = arith.constant 0 : i32
      %add3A_86 = arith.addi %add3A_85, %mul3A_84 : i32
      %add3A_87 = arith.constant 0 : i32
      %add3A_88 = arith.addi %add3A_86, %add3A_87 : i32
      %get3A = arith.index_cast %add3A_88 : i32 to index
      %get3A_89 = arith.constant 0 : index
      %get3A_90 = tpu.vector_load %arg5[%get3A, %get3A_89] {strides = array<i32>} : memref<128x128xf32, #tpu.memory_space<vmem>>, vector<1x16xf32>,
      %get3A_91 = vector.shape_cast %get3A_90 : vector<1x16xf32> to vector<16xf32>
      %add3A_92 = arith.constant 0 : i32
      %add3A_93 = arith.addi %add3A_86, %add3A_92 : i32
      %get3A_94 = arith.index_cast %add3A_93 : i32 to index
      %get3A_95 = arith.constant 0 : index
      %get3A_96 = tpu.vector_load %arg6[%get3A_94, %get3A_95] {strides = array<i32>} : memref<128x128xf32, #tpu.memory_space<vmem>>, vector<1x16xf32>,
      %get3A_97 = vector.shape_cast %get3A_96 : vector<1x16xf32> to vector<16xf32>
      %add3A_98 = arith.addf %get3A_91, %get3A_97 : vector<16xf32>
      %mul3A_99 = arith.constant 5.000000e-01 : f32
      %mul3A_100 = vector.broadcast %mul3A_99 : f32 to vector<16xf32>
      %mul3A_101 = arith.mulf %mul3A_100, %add3A_98 : vector<16xf32>
      %add3A_102 = arith.constant 0 : i32
      %add3A_103 = arith.addi %add3A_86, %add3A_102 : i32
      %swap3A = arith.index_cast %add3A_103 : i32 to index
      %swap3A_104 = arith.constant 0 : index
      %swap3A_105 = tpu.vector_load %arg7[%swap3A, %swap3A_104] {strides = array<i32>} : memref<128x128xf32, #tpu.memory_space<vmem>>, vector<1x16xf32>,
      %swap3A_106 = vector.shape_cast %swap3A_105 : vector<1x16xf32> to vector<16xf32>
      %swap3A_107 = vector.shape_cast %mul3A_101 : vector<16xf32> to vector<1x16xf32>
      tpu.vector_store %arg7[%swap3A, %swap3A_104], %swap3A_107 {strides = array<i32>} : memref<128x128xf32, #tpu.memory_space<vmem>>, vector<1x16xf32>,
      %add3A_108 = arith.constant 0 : i32
      %add3A_109 = arith.addi %add3A_86, %add3A_108 : i32
      %get3A_110 = arith.index_cast %add3A_109 : i32 to index
      %get3A_111 = arith.constant 16 : index
      %get3A_112 = tpu.vector_load %arg5[%get3A_110, %get3A_111] {strides = array<i32>} : memref<128x128xf32, #tpu.memory_space<vmem>>, vector<1x16xf32>,
      %get3A_113 = vector.shape_cast %get3A_112 : vector<1x16xf32> to vector<16xf32>
      %add3A_114 = arith.constant 0 : i32
      %add3A_115 = arith.addi %add3A_86, %add3A_114 : i32
      %get3A_116 = arith.index_cast %add3A_115 : i32 to index
      %get3A_117 = arith.constant 16 : index
      %get3A_118 = tpu.vector_load %arg6[%get3A_116, %get3A_117] {strides = array<i32>} : memref<128x128xf32, #tpu.memory_space<vmem>>, vector<1x16xf32>,
      %get3A_119 = vector.shape_cast %get3A_118 : vector<1x16xf32> to vector<16xf32>
      %add3A_120 = arith.addf %get3A_113, %get3A_119 : vector<16xf32>
      %mul3A_121 = arith.constant 5.000000e-01 : f32
      %mul3A_122 = vector.broadcast %mul3A_121 : f32 to vector<16xf32>
      %mul3A_123 = arith.mulf %mul3A_122, %add3A_120 : vector<16xf32>
      %add3A_124 = arith.constant 0 : i32
      %add3A_125 = arith.addi %add3A_86, %add3A_124 : i32
      %swap3A_126 = arith.index_cast %add3A_125 : i32 to index
      %swap3A_127 = arith.constant 16 : index
      %swap3A_128 = tpu.vector_load %arg7[%swap3A_126, %swap3A_127] {strides = array<i32>} : memref<128x128xf32, #tpu.memory_space<vmem>>, vector<1x16xf32>,
      %swap3A_129 = vector.shape_cast %swap3A_128 : vector<1x16xf32> to vector<16xf32>
      %swap3A_130 = vector.shape_cast %mul3A_123 : vector<16xf32> to vector<1x16xf32>
      tpu.vector_store %arg7[%swap3A_126, %swap3A_127], %swap3A_130 {strides = array<i32>} : memref<128x128xf32, #tpu.memory_space<vmem>>, vector<1x16xf32>,
      %add3A_131 = arith.constant 0 : i32
      %add3A_132 = arith.addi %add3A_86, %add3A_131 : i32
      %get3A_133 = arith.index_cast %add3A_132 : i32 to index
      %get3A_134 = arith.constant 32 : index
      %get3A_135 = tpu.vector_load %arg5[%get3A_133, %get3A_134] {strides = array<i32>} : memref<128x128xf32, #tpu.memory_space<vmem>>, vector<1x16xf32>,
      %get3A_136 = vector.shape_cast %get3A_135 : vector<1x16xf32> to vector<16xf32>
      %add3A_137 = arith.constant 0 : i32
      %add3A_138 = arith.addi %add3A_86, %add3A_137 : i32
      %get3A_139 = arith.index_cast %add3A_138 : i32 to index
      %get3A_140 = arith.constant 32 : index
      %get3A_141 = tpu.vector_load %arg6[%get3A_139, %get3A_140] {strides = array<i32>} : memref<128x128xf32, #tpu.memory_space<vmem>>, vector<1x16xf32>,
      %get3A_142 = vector.shape_cast %get3A_141 : vector<1x16xf32> to vector<16xf32>
      %add3A_143 = arith.addf %get3A_136, %get3A_142 : vector<16xf32>
      %mul3A_144 = arith.constant 5.000000e-01 : f32
      %mul3A_145 = vector.broadcast %mul3A_144 : f32 to vector<16xf32>
      %mul3A_146 = arith.mulf %mul3A_145, %add3A_143 : vector<16xf32>
      %add3A_147 = arith.constant 0 : i32
      %add3A_148 = arith.addi %add3A_86, %add3A_147 : i32
      %swap3A_149 = arith.index_cast %add3A_148 : i32 to index
      %swap3A_150 = arith.constant 32 : index
      %swap3A_151 = tpu.vector_load %arg7[%swap3A_149, %swap3A_150] {strides = array<i32>} : memref<128x128xf32, #tpu.memory_space<vmem>>, vector<1x16xf32>,
      %swap3A_152 = vector.shape_cast %swap3A_151 : vector<1x16xf32> to vector<16xf32>
      %swap3A_153 = vector.shape_cast %mul3A_146 : vector<16xf32> to vector<1x16xf32>
      tpu.vector_store %arg7[%swap3A_149, %swap3A_150], %swap3A_153 {strides = array<i32>} : memref<128x128xf32, #tpu.memory_space<vmem>>, vector<1x16xf32>,
      %add3A_154 = arith.constant 0 : i32
      %add3A_155 = arith.addi %add3A_86, %add3A_154 : i32
      %get3A_156 = arith.index_cast %add3A_155 : i32 to index
      %get3A_157 = arith.constant 48 : index
      %get3A_158 = tpu.vector_load %arg5[%get3A_156, %get3A_157] {strides = array<i32>} : memref<128x128xf32, #tpu.memory_space<vmem>>, vector<1x16xf32>,
      %get3A_159 = vector.shape_cast %get3A_158 : vector<1x16xf32> to vector<16xf32>
      %add3A_160 = arith.constant 0 : i32
      %add3A_161 = arith.addi %add3A_86, %add3A_160 : i32
      %get3A_162 = arith.index_cast %add3A_161 : i32 to index
      %get3A_163 = arith.constant 48 : index
      %get3A_164 = tpu.vector_load %arg6[%get3A_162, %get3A_163] {strides = array<i32>} : memref<128x128xf32, #tpu.memory_space<vmem>>, vector<1x16xf32>,
      %get3A_165 = vector.shape_cast %get3A_164 : vector<1x16xf32> to vector<16xf32>
      %add3A_166 = arith.addf %get3A_159, %get3A_165 : vector<16xf32>
      %mul3A_167 = arith.constant 5.000000e-01 : f32
      %mul3A_168 = vector.broadcast %mul3A_167 : f32 to vector<16xf32>
      %mul3A_169 = arith.mulf %mul3A_168, %add3A_166 : vector<16xf32>
      %add3A_170 = arith.constant 0 : i32
      %add3A_171 = arith.addi %add3A_86, %add3A_170 : i32
      %swap3A_172 = arith.index_cast %add3A_171 : i32 to index
      %swap3A_173 = arith.constant 48 : index
      %swap3A_174 = tpu.vector_load %arg7[%swap3A_172, %swap3A_173] {strides = array<i32>} : memref<128x128xf32, #tpu.memory_space<vmem>>, vector<1x16xf32>,
      %swap3A_175 = vector.shape_cast %swap3A_174 : vector<1x16xf32> to vector<16xf32>
      %swap3A_176 = vector.shape_cast %mul3A_169 : vector<16xf32> to vector<1x16xf32>
      tpu.vector_store %arg7[%swap3A_172, %swap3A_173], %swap3A_176 {strides = array<i32>} : memref<128x128xf32, #tpu.memory_space<vmem>>, vector<1x16xf32>,
      %add3A_177 = arith.constant 0 : i32
      %add3A_178 = arith.addi %add3A_86, %add3A_177 : i32
      %get3A_179 = arith.index_cast %add3A_178 : i32 to index
      %get3A_180 = arith.constant 64 : index
      %get3A_181 = tpu.vector_load %arg5[%get3A_179, %get3A_180] {strides = array<i32>} : memref<128x128xf32, #tpu.memory_space<vmem>>, vector<1x16xf32>,
      %get3A_182 = vector.shape_cast %get3A_181 : vector<1x16xf32> to vector<16xf32>
      %add3A_183 = arith.constant 0 : i32
      %add3A_184 = arith.addi %add3A_86, %add3A_183 : i32
      %get3A_185 = arith.index_cast %add3A_184 : i32 to index
      %get3A_186 = arith.constant 64 : index
      %get3A_187 = tpu.vector_load %arg6[%get3A_185, %get3A_186] {strides = array<i32>} : memref<128x128xf32, #tpu.memory_space<vmem>>, vector<1x16xf32>,
      %get3A_188 = vector.shape_cast %get3A_187 : vector<1x16xf32> to vector<16xf32>
      %add3A_189 = arith.addf %get3A_182, %get3A_188 : vector<16xf32>
      %mul3A_190 = arith.constant 5.000000e-01 : f32
      %mul3A_191 = vector.broadcast %mul3A_190 : f32 to vector<16xf32>
      %mul3A_192 = arith.mulf %mul3A_191, %add3A_189 : vector<16xf32>
      %add3A_193 = arith.constant 0 : i32
      %add3A_194 = arith.addi %add3A_86, %add3A_193 : i32
      %swap3A_195 = arith.index_cast %add3A_194 : i32 to index
      %swap3A_196 = arith.constant 64 : index
      %swap3A_197 = tpu.vector_load %arg7[%swap3A_195, %swap3A_196] {strides = array<i32>} : memref<128x128xf32, #tpu.memory_space<vmem>>, vector<1x16xf32>,
      %swap3A_198 = vector.shape_cast %swap3A_197 : vector<1x16xf32> to vector<16xf32>
      %swap3A_199 = vector.shape_cast %mul3A_192 : vector<16xf32> to vector<1x16xf32>
      tpu.vector_store %arg7[%swap3A_195, %swap3A_196], %swap3A_199 {strides = array<i32>} : memref<128x128xf32, #tpu.memory_space<vmem>>, vector<1x16xf32>,
      %add3A_200 = arith.constant 0 : i32
      %add3A_201 = arith.addi %add3A_86, %add3A_200 : i32
      %get3A_202 = arith.index_cast %add3A_201 : i32 to index
      %get3A_203 = arith.constant 80 : index
      %get3A_204 = tpu.vector_load %arg5[%get3A_202, %get3A_203] {strides = array<i32>} : memref<128x128xf32, #tpu.memory_space<vmem>>, vector<1x16xf32>,
      %get3A_205 = vector.shape_cast %get3A_204 : vector<1x16xf32> to vector<16xf32>
      %add3A_206 = arith.constant 0 : i32
      %add3A_207 = arith.addi %add3A_86, %add3A_206 : i32
      %get3A_208 = arith.index_cast %add3A_207 : i32 to index
      %get3A_209 = arith.constant 80 : index
      %get3A_210 = tpu.vector_load %arg6[%get3A_208, %get3A_209] {strides = array<i32>} : memref<128x128xf32, #tpu.memory_space<vmem>>, vector<1x16xf32>,
      %get3A_211 = vector.shape_cast %get3A_210 : vector<1x16xf32> to vector<16xf32>
      %add3A_212 = arith.addf %get3A_205, %get3A_211 : vector<16xf32>
      %mul3A_213 = arith.constant 5.000000e-01 : f32
      %mul3A_214 = vector.broadcast %mul3A_213 : f32 to vector<16xf32>
      %mul3A_215 = arith.mulf %mul3A_214, %add3A_212 : vector<16xf32>
      %add3A_216 = arith.constant 0 : i32
      %add3A_217 = arith.addi %add3A_86, %add3A_216 : i32
      %swap3A_218 = arith.index_cast %add3A_217 : i32 to index
      %swap3A_219 = arith.constant 80 : index
      %swap3A_220 = tpu.vector_load %arg7[%swap3A_218, %swap3A_219] {strides = array<i32>} : memref<128x128xf32, #tpu.memory_space<vmem>>, vector<1x16xf32>,
      %swap3A_221 = vector.shape_cast %swap3A_220 : vector<1x16xf32> to vector<16xf32>
      %swap3A_222 = vector.shape_cast %mul3A_215 : vector<16xf32> to vector<1x16xf32>
      tpu.vector_store %arg7[%swap3A_218, %swap3A_219], %swap3A_222 {strides = array<i32>} : memref<128x128xf32, #tpu.memory_space<vmem>>, vector<1x16xf32>,
      %add3A_223 = arith.constant 0 : i32
      %add3A_224 = arith.addi %add3A_86, %add3A_223 : i32
      %get3A_225 = arith.index_cast %add3A_224 : i32 to index
      %get3A_226 = arith.constant 96 : index
      %get3A_227 = tpu.vector_load %arg5[%get3A_225, %get3A_226] {strides = array<i32>} : memref<128x128xf32, #tpu.memory_space<vmem>>, vector<1x16xf32>,
      %get3A_228 = vector.shape_cast %get3A_227 : vector<1x16xf32> to vector<16xf32>
      %add3A_229 = arith.constant 0 : i32
      %add3A_230 = arith.addi %add3A_86, %add3A_229 : i32
      %get3A_231 = arith.index_cast %add3A_230 : i32 to index
      %get3A_232 = arith.constant 96 : index
      %get3A_233 = tpu.vector_load %arg6[%get3A_231, %get3A_232] {strides = array<i32>} : memref<128x128xf32, #tpu.memory_space<vmem>>, vector<1x16xf32>,
      %get3A_234 = vector.shape_cast %get3A_233 : vector<1x16xf32> to vector<16xf32>
      %add3A_235 = arith.addf %get3A_228, %get3A_234 : vector<16xf32>
      %mul3A_236 = arith.constant 5.000000e-01 : f32
      %mul3A_237 = vector.broadcast %mul3A_236 : f32 to vector<16xf32>
      %mul3A_238 = arith.mulf %mul3A_237, %add3A_235 : vector<16xf32>
      %add3A_239 = arith.constant 0 : i32
      %add3A_240 = arith.addi %add3A_86, %add3A_239 : i32
      %swap3A_241 = arith.index_cast %add3A_240 : i32 to index
      %swap3A_242 = arith.constant 96 : index
      %swap3A_243 = tpu.vector_load %arg7[%swap3A_241, %swap3A_242] {strides = array<i32>} : memref<128x128xf32, #tpu.memory_space<vmem>>, vector<1x16xf32>,
      %swap3A_244 = vector.shape_cast %swap3A_243 : vector<1x16xf32> to vector<16xf32>
      %swap3A_245 = vector.shape_cast %mul3A_238 : vector<16xf32> to vector<1x16xf32>
      tpu.vector_store %arg7[%swap3A_241, %swap3A_242], %swap3A_245 {strides = array<i32>} : memref<128x128xf32, #tpu.memory_space<vmem>>, vector<1x16xf32>,
      %add3A_246 = arith.constant 0 : i32
      %add3A_247 = arith.addi %add3A_86, %add3A_246 : i32
      %get3A_248 = arith.index_cast %add3A_247 : i32 to index
      %get3A_249 = arith.constant 112 : index
      %get3A_250 = tpu.vector_load %arg5[%get3A_248, %get3A_249] {strides = array<i32>} : memref<128x128xf32, #tpu.memory_space<vmem>>, vector<1x16xf32>,
      %get3A_251 = vector.shape_cast %get3A_250 : vector<1x16xf32> to vector<16xf32>
      %add3A_252 = arith.constant 0 : i32
      %add3A_253 = arith.addi %add3A_86, %add3A_252 : i32
      %get3A_254 = arith.index_cast %add3A_253 : i32 to index
      %get3A_255 = arith.constant 112 : index
      %get3A_256 = tpu.vector_load %arg6[%get3A_254, %get3A_255] {strides = array<i32>} : memref<128x128xf32, #tpu.memory_space<vmem>>, vector<1x16xf32>,
      %get3A_257 = vector.shape_cast %get3A_256 : vector<1x16xf32> to vector<16xf32>
      %add3A_258 = arith.addf %get3A_251, %get3A_257 : vector<16xf32>
      %mul3A_259 = arith.constant 5.000000e-01 : f32
      %mul3A_260 = vector.broadcast %mul3A_259 : f32 to vector<16xf32>
      %mul3A_261 = arith.mulf %mul3A_260, %add3A_258 : vector<16xf32>
      %add3A_262 = arith.constant 0 : i32
      %add3A_263 = arith.addi %add3A_86, %add3A_262 : i32
      %swap3A_264 = arith.index_cast %add3A_263 : i32 to index
      %swap3A_265 = arith.constant 112 : index
      %swap3A_266 = tpu.vector_load %arg7[%swap3A_264, %swap3A_265] {strides = array<i32>} : memref<128x128xf32, #tpu.memory_space<vmem>>, vector<1x16xf32>,
      %swap3A_267 = vector.shape_cast %swap3A_266 : vector<1x16xf32> to vector<16xf32>
      %swap3A_268 = vector.shape_cast %mul3A_261 : vector<16xf32> to vector<1x16xf32>
      tpu.vector_store %arg7[%swap3A_264, %swap3A_265], %swap3A_268 {strides = array<i32>} : memref<128x128xf32, #tpu.memory_space<vmem>>, vector<1x16xf32>,
      %add3A_269 = arith.constant 1 : i32
      %add3A_270 = arith.addi %add3A_86, %add3A_269 : i32
      %get3A_271 = arith.index_cast %add3A_270 : i32 to index
      %get3A_272 = arith.constant 0 : index
      %get3A_273 = tpu.vector_load %arg5[%get3A_271, %get3A_272] {strides = array<i32>} : memref<128x128xf32, #tpu.memory_space<vmem>>, vector<1x16xf32>,
      %get3A_274 = vector.shape_cast %get3A_273 : vector<1x16xf32> to vector<16xf32>
      %add3A_275 = arith.constant 1 : i32
      %add3A_276 = arith.addi %add3A_86, %add3A_275 : i32
      %get3A_277 = arith.index_cast %add3A_276 : i32 to index
      %get3A_278 = arith.constant 0 : index
      %get3A_279 = tpu.vector_load %arg6[%get3A_277, %get3A_278] {strides = array<i32>} : memref<128x128xf32, #tpu.memory_space<vmem>>, vector<1x16xf32>,
      %get3A_280 = vector.shape_cast %get3A_279 : vector<1x16xf32> to vector<16xf32>
      %add3A_281 = arith.addf %get3A_274, %get3A_280 : vector<16xf32>
      %mul3A_282 = arith.constant 5.000000e-01 : f32
      %mul3A_283 = vector.broadcast %mul3A_282 : f32 to vector<16xf32>
      %mul3A_284 = arith.mulf %mul3A_283, %add3A_281 : vector<16xf32>
      %add3A_285 = arith.constant 1 : i32
      %add3A_286 = arith.addi %add3A_86, %add3A_285 : i32
      %swap3A_287 = arith.index_cast %add3A_286 : i32 to index
      %swap3A_288 = arith.constant 0 : index
      %swap3A_289 = tpu.vector_load %arg7[%swap3A_287, %swap3A_288] {strides = array<i32>} : memref<128x128xf32, #tpu.memory_space<vmem>>, vector<1x16xf32>,
      %swap3A_290 = vector.shape_cast %swap3A_289 : vector<1x16xf32> to vector<16xf32>
      %swap3A_291 = vector.shape_cast %mul3A_284 : vector<16xf32> to vector<1x16xf32>
      tpu.vector_store %arg7[%swap3A_287, %swap3A_288], %swap3A_291 {strides = array<i32>} : memref<128x128xf32, #tpu.memory_space<vmem>>, vector<1x16xf32>,
      %add3A_292 = arith.constant 1 : i32
      %add3A_293 = arith.addi %add3A_86, %add3A_292 : i32
      %get3A_294 = arith.index_cast %add3A_293 : i32 to index
      %get3A_295 = arith.constant 16 : index
      %get3A_296 = tpu.vector_load %arg5[%get3A_294, %get3A_295] {strides = array<i32>} : memref<128x128xf32, #tpu.memory_space<vmem>>, vector<1x16xf32>,
      %get3A_297 = vector.shape_cast %get3A_296 : vector<1x16xf32> to vector<16xf32>
      %add3A_298 = arith.constant 1 : i32
      %add3A_299 = arith.addi %add3A_86, %add3A_298 : i32
      %get3A_300 = arith.index_cast %add3A_299 : i32 to index
      %get3A_301 = arith.constant 16 : index
      %get3A_302 = tpu.vector_load %arg6[%get3A_300, %get3A_301] {strides = array<i32>} : memref<128x128xf32, #tpu.memory_space<vmem>>, vector<1x16xf32>,
      %get3A_303 = vector.shape_cast %get3A_302 : vector<1x16xf32> to vector<16xf32>
      %add3A_304 = arith.addf %get3A_297, %get3A_303 : vector<16xf32>
      %mul3A_305 = arith.constant 5.000000e-01 : f32
      %mul3A_306 = vector.broadcast %mul3A_305 : f32 to vector<16xf32>
      %mul3A_307 = arith.mulf %mul3A_306, %add3A_304 : vector<16xf32>
      %add3A_308 = arith.constant 1 : i32
      %add3A_309 = arith.addi %add3A_86, %add3A_308 : i32
      %swap3A_310 = arith.index_cast %add3A_309 : i32 to index
      %swap3A_311 = arith.constant 16 : index
      %swap3A_312 = tpu.vector_load %arg7[%swap3A_310, %swap3A_311] {strides = array<i32>} : memref<128x128xf32, #tpu.memory_space<vmem>>, vector<1x16xf32>,
      %swap3A_313 = vector.shape_cast %swap3A_312 : vector<1x16xf32> to vector<16xf32>
      %swap3A_314 = vector.shape_cast %mul3A_307 : vector<16xf32> to vector<1x16xf32>
      tpu.vector_store %arg7[%swap3A_310, %swap3A_311], %swap3A_314 {strides = array<i32>} : memref<128x128xf32, #tpu.memory_space<vmem>>, vector<1x16xf32>,
      %add3A_315 = arith.constant 1 : i32
      %add3A_316 = arith.addi %add3A_86, %add3A_315 : i32
      %get3A_317 = arith.index_cast %add3A_316 : i32 to index
      %get3A_318 = arith.constant 32 : index
      %get3A_319 = tpu.vector_load %arg5[%get3A_317, %get3A_318] {strides = array<i32>} : memref<128x128xf32, #tpu.memory_space<vmem>>, vector<1x16xf32>,
      %get3A_320 = vector.shape_cast %get3A_319 : vector<1x16xf32> to vector<16xf32>
      %add3A_321 = arith.constant 1 : i32
      %add3A_322 = arith.addi %add3A_86, %add3A_321 : i32
      %get3A_323 = arith.index_cast %add3A_322 : i32 to index
      %get3A_324 = arith.constant 32 : index
      %get3A_325 = tpu.vector_load %arg6[%get3A_323, %get3A_324] {strides = array<i32>} : memref<128x128xf32, #tpu.memory_space<vmem>>, vector<1x16xf32>,
      %get3A_326 = vector.shape_cast %get3A_325 : vector<1x16xf32> to vector<16xf32>
      %add3A_327 = arith.addf %get3A_320, %get3A_326 : vector<16xf32>
      %mul3A_328 = arith.constant 5.000000e-01 : f32
      %mul3A_329 = vector.broadcast %mul3A_328 : f32 to vector<16xf32>
      %mul3A_330 = arith.mulf %mul3A_329, %add3A_327 : vector<16xf32>
      %add3A_331 = arith.constant 1 : i32
      %add3A_332 = arith.addi %add3A_86, %add3A_331 : i32
      %swap3A_333 = arith.index_cast %add3A_332 : i32 to index
      %swap3A_334 = arith.constant 32 : index
      %swap3A_335 = tpu.vector_load %arg7[%swap3A_333, %swap3A_334] {strides = array<i32>} : memref<128x128xf32, #tpu.memory_space<vmem>>, vector<1x16xf32>,
      %swap3A_336 = vector.shape_cast %swap3A_335 : vector<1x16xf32> to vector<16xf32>
      %swap3A_337 = vector.shape_cast %mul3A_330 : vector<16xf32> to vector<1x16xf32>
      tpu.vector_store %arg7[%swap3A_333, %swap3A_334], %swap3A_337 {strides = array<i32>} : memref<128x128xf32, #tpu.memory_space<vmem>>, vector<1x16xf32>,
      %add3A_338 = arith.constant 1 : i32
      %add3A_339 = arith.addi %add3A_86, %add3A_338 : i32
      %get3A_340 = arith.index_cast %add3A_339 : i32 to index
      %get3A_341 = arith.constant 48 : index
      %get3A_342 = tpu.vector_load %arg5[%get3A_340, %get3A_341] {strides = array<i32>} : memref<128x128xf32, #tpu.memory_space<vmem>>, vector<1x16xf32>,
      %get3A_343 = vector.shape_cast %get3A_342 : vector<1x16xf32> to vector<16xf32>
      %add3A_344 = arith.constant 1 : i32
      %add3A_345 = arith.addi %add3A_86, %add3A_344 : i32
      %get3A_346 = arith.index_cast %add3A_345 : i32 to index
      %get3A_347 = arith.constant 48 : index
      %get3A_348 = tpu.vector_load %arg6[%get3A_346, %get3A_347] {strides = array<i32>} : memref<128x128xf32, #tpu.memory_space<vmem>>, vector<1x16xf32>,
      %get3A_349 = vector.shape_cast %get3A_348 : vector<1x16xf32> to vector<16xf32>
      %add3A_350 = arith.addf %get3A_343, %get3A_349 : vector<16xf32>
      %mul3A_351 = arith.constant 5.000000e-01 : f32
      %mul3A_352 = vector.broadcast %mul3A_351 : f32 to vector<16xf32>
      %mul3A_353 = arith.mulf %mul3A_352, %add3A_350 : vector<16xf32>
      %add3A_354 = arith.constant 1 : i32
      %add3A_355 = arith.addi %add3A_86, %add3A_354 : i32
      %swap3A_356 = arith.index_cast %add3A_355 : i32 to index
      %swap3A_357 = arith.constant 48 : index
      %swap3A_358 = tpu.vector_load %arg7[%swap3A_356, %swap3A_357] {strides = array<i32>} : memref<128x128xf32, #tpu.memory_space<vmem>>, vector<1x16xf32>,
      %swap3A_359 = vector.shape_cast %swap3A_358 : vector<1x16xf32> to vector<16xf32>
      %swap3A_360 = vector.shape_cast %mul3A_353 : vector<16xf32> to vector<1x16xf32>
      tpu.vector_store %arg7[%swap3A_356, %swap3A_357], %swap3A_360 {strides = array<i32>} : memref<128x128xf32, #tpu.memory_space<vmem>>, vector<1x16xf32>,
      %add3A_361 = arith.constant 1 : i32
      %add3A_362 = arith.addi %add3A_86, %add3A_361 : i32
      %get3A_363 = arith.index_cast %add3A_362 : i32 to index
      %get3A_364 = arith.constant 64 : index
      %get3A_365 = tpu.vector_load %arg5[%get3A_363, %get3A_364] {strides = array<i32>} : memref<128x128xf32, #tpu.memory_space<vmem>>, vector<1x16xf32>,
      %get3A_366 = vector.shape_cast %get3A_365 : vector<1x16xf32> to vector<16xf32>
      %add3A_367 = arith.constant 1 : i32
      %add3A_368 = arith.addi %add3A_86, %add3A_367 : i32
      %get3A_369 = arith.index_cast %add3A_368 : i32 to index
      %get3A_370 = arith.constant 64 : index
      %get3A_371 = tpu.vector_load %arg6[%get3A_369, %get3A_370] {strides = array<i32>} : memref<128x128xf32, #tpu.memory_space<vmem>>, vector<1x16xf32>,
      %get3A_372 = vector.shape_cast %get3A_371 : vector<1x16xf32> to vector<16xf32>
      %add3A_373 = arith.addf %get3A_366, %get3A_372 : vector<16xf32>
      %mul3A_374 = arith.constant 5.000000e-01 : f32
      %mul3A_375 = vector.broadcast %mul3A_374 : f32 to vector<16xf32>
      %mul3A_376 = arith.mulf %mul3A_375, %add3A_373 : vector<16xf32>
      %add3A_377 = arith.constant 1 : i32
      %add3A_378 = arith.addi %add3A_86, %add3A_377 : i32
      %swap3A_379 = arith.index_cast %add3A_378 : i32 to index
      %swap3A_380 = arith.constant 64 : index
      %swap3A_381 = tpu.vector_load %arg7[%swap3A_379, %swap3A_380] {strides = array<i32>} : memref<128x128xf32, #tpu.memory_space<vmem>>, vector<1x16xf32>,
      %swap3A_382 = vector.shape_cast %swap3A_381 : vector<1x16xf32> to vector<16xf32>
      %swap3A_383 = vector.shape_cast %mul3A_376 : vector<16xf32> to vector<1x16xf32>
      tpu.vector_store %arg7[%swap3A_379, %swap3A_380], %swap3A_383 {strides = array<i32>} : memref<128x128xf32, #tpu.memory_space<vmem>>, vector<1x16xf32>,
      %add3A_384 = arith.constant 1 : i32
      %add3A_385 = arith.addi %add3A_86, %add3A_384 : i32
      %get3A_386 = arith.index_cast %add3A_385 : i32 to index
      %get3A_387 = arith.constant 80 : index
      %get3A_388 = tpu.vector_load %arg5[%get3A_386, %get3A_387] {strides = array<i32>} : memref<128x128xf32, #tpu.memory_space<vmem>>, vector<1x16xf32>,
      %get3A_389 = vector.shape_cast %get3A_388 : vector<1x16xf32> to vector<16xf32>
      %add3A_390 = arith.constant 1 : i32
      %add3A_391 = arith.addi %add3A_86, %add3A_390 : i32
      %get3A_392 = arith.index_cast %add3A_391 : i32 to index
      %get3A_393 = arith.constant 80 : index
      %get3A_394 = tpu.vector_load %arg6[%get3A_392, %get3A_393] {strides = array<i32>} : memref<128x128xf32, #tpu.memory_space<vmem>>, vector<1x16xf32>,
      %get3A_395 = vector.shape_cast %get3A_394 : vector<1x16xf32> to vector<16xf32>
      %add3A_396 = arith.addf %get3A_389, %get3A_395 : vector<16xf32>
      %mul3A_397 = arith.constant 5.000000e-01 : f32
      %mul3A_398 = vector.broadcast %mul3A_397 : f32 to vector<16xf32>
      %mul3A_399 = arith.mulf %mul3A_398, %add3A_396 : vector<16xf32>
      %add3A_400 = arith.constant 1 : i32
      %add3A_401 = arith.addi %add3A_86, %add3A_400 : i32
      %swap3A_402 = arith.index_cast %add3A_401 : i32 to index
      %swap3A_403 = arith.constant 80 : index
      %swap3A_404 = tpu.vector_load %arg7[%swap3A_402, %swap3A_403] {strides = array<i32>} : memref<128x128xf32, #tpu.memory_space<vmem>>, vector<1x16xf32>,
      %swap3A_405 = vector.shape_cast %swap3A_404 : vector<1x16xf32> to vector<16xf32>
      %swap3A_406 = vector.shape_cast %mul3A_399 : vector<16xf32> to vector<1x16xf32>
      tpu.vector_store %arg7[%swap3A_402, %swap3A_403], %swap3A_406 {strides = array<i32>} : memref<128x128xf32, #tpu.memory_space<vmem>>, vector<1x16xf32>,
      %add3A_407 = arith.constant 1 : i32
      %add3A_408 = arith.addi %add3A_86, %add3A_407 : i32
      %get3A_409 = arith.index_cast %add3A_408 : i32 to index
      %get3A_410 = arith.constant 96 : index
      %get3A_411 = tpu.vector_load %arg5[%get3A_409, %get3A_410] {strides = array<i32>} : memref<128x128xf32, #tpu.memory_space<vmem>>, vector<1x16xf32>,
      %get3A_412 = vector.shape_cast %get3A_411 : vector<1x16xf32> to vector<16xf32>
      %add3A_413 = arith.constant 1 : i32
      %add3A_414 = arith.addi %add3A_86, %add3A_413 : i32
      %get3A_415 = arith.index_cast %add3A_414 : i32 to index
      %get3A_416 = arith.constant 96 : index
      %get3A_417 = tpu.vector_load %arg6[%get3A_415, %get3A_416] {strides = array<i32>} : memref<128x128xf32, #tpu.memory_space<vmem>>, vector<1x16xf32>,
      %get3A_418 = vector.shape_cast %get3A_417 : vector<1x16xf32> to vector<16xf32>
      %add3A_419 = arith.addf %get3A_412, %get3A_418 : vector<16xf32>
      %mul3A_420 = arith.constant 5.000000e-01 : f32
      %mul3A_421 = vector.broadcast %mul3A_420 : f32 to vector<16xf32>
      %mul3A_422 = arith.mulf %mul3A_421, %add3A_419 : vector<16xf32>
      %add3A_423 = arith.constant 1 : i32
      %add3A_424 = arith.addi %add3A_86, %add3A_423 : i32
      %swap3A_425 = arith.index_cast %add3A_424 : i32 to index
      %swap3A_426 = arith.constant 96 : index
      %swap3A_427 = tpu.vector_load %arg7[%swap3A_425, %swap3A_426] {strides = array<i32>} : memref<128x128xf32, #tpu.memory_space<vmem>>, vector<1x16xf32>,
      %swap3A_428 = vector.shape_cast %swap3A_427 : vector<1x16xf32> to vector<16xf32>
      %swap3A_429 = vector.shape_cast %mul3A_422 : vector<16xf32> to vector<1x16xf32>
      tpu.vector_store %arg7[%swap3A_425, %swap3A_426], %swap3A_429 {strides = array<i32>} : memref<128x128xf32, #tpu.memory_space<vmem>>, vector<1x16xf32>,
      %add3A_430 = arith.constant 1 : i32
      %add3A_431 = arith.addi %add3A_86, %add3A_430 : i32
      %get3A_432 = arith.index_cast %add3A_431 : i32 to index
      %get3A_433 = arith.constant 112 : index
      %get3A_434 = tpu.vector_load %arg5[%get3A_432, %get3A_433] {strides = array<i32>} : memref<128x128xf32, #tpu.memory_space<vmem>>, vector<1x16xf32>,
      %get3A_435 = vector.shape_cast %get3A_434 : vector<1x16xf32> to vector<16xf32>
      %add3A_436 = arith.constant 1 : i32
      %add3A_437 = arith.addi %add3A_86, %add3A_436 : i32
      %get3A_438 = arith.index_cast %add3A_437 : i32 to index
      %get3A_439 = arith.constant 112 : index
      %get3A_440 = tpu.vector_load %arg6[%get3A_438, %get3A_439] {strides = array<i32>} : memref<128x128xf32, #tpu.memory_space<vmem>>, vector<1x16xf32>,
      %get3A_441 = vector.shape_cast %get3A_440 : vector<1x16xf32> to vector<16xf32>
      %add3A_442 = arith.addf %get3A_435, %get3A_441 : vector<16xf32>
      %mul3A_443 = arith.constant 5.000000e-01 : f32
      %mul3A_444 = vector.broadcast %mul3A_443 : f32 to vector<16xf32>
      %mul3A_445 = arith.mulf %mul3A_444, %add3A_442 : vector<16xf32>
      %add3A_446 = arith.constant 1 : i32
      %add3A_447 = arith.addi %add3A_86, %add3A_446 : i32
      %swap3A_448 = arith.index_cast %add3A_447 : i32 to index
      %swap3A_449 = arith.constant 112 : index
      %swap3A_450 = tpu.vector_load %arg7[%swap3A_448, %swap3A_449] {strides = array<i32>} : memref<128x128xf32, #tpu.memory_space<vmem>>, vector<1x16xf32>,
      %swap3A_451 = vector.shape_cast %swap3A_450 : vector<1x16xf32> to vector<16xf32>
      %swap3A_452 = vector.shape_cast %mul3A_445 : vector<16xf32> to vector<1x16xf32>
      tpu.vector_store %arg7[%swap3A_448, %swap3A_449], %swap3A_452 {strides = array<i32>} : memref<128x128xf32, #tpu.memory_space<vmem>>, vector<1x16xf32>,
    }
    %scan3A_29 = arith.constant 32 : i32
    %mul3A_30 = arith.constant 128 : i32
    %mul3A_31 = arith.muli %mul3A_30, %add3A : i32
    %dma_start3A_32 = arith.constant 0 : i32
    %dma_start3A_33 = arith.constant 0 : i32
    %dma_start3A_34 = tpu.memref_slice %arg7[%dma_start3A_32, %dma_start3A_33] : memref<128x128xf32, #tpu.memory_space<vmem>> -> memref<64x128xf32, #tpu.memory_space<vmem>>
    %dma_start3A_35 = arith.constant 0 : i32
    %dma_start3A_36 = tpu.memref_slice %arg4[%mul3A_31, %dma_start3A_35] : memref<4096x128xf32, #tpu.memory_space<hbm>> -> memref<64x128xf32, #tpu.memory_space<hbm>>
    %dma_start3A_37 = arith.constant 0 : i32
    %dma_start3A_38 = tpu.memref_slice %arg4[%mul3A_31, %dma_start3A_37] : memref<4096x128xf32, #tpu.memory_space<hbm>> -> memref<64x128xf32, #tpu.memory_space<hbm>>
    %dma_start3A_39 = arith.constant 0 : i32
    %dma_start3A_40 = arith.constant 0 : i32
    %dma_start3A_41 = tpu.memref_slice %arg7[%dma_start3A_39, %dma_start3A_40] : memref<128x128xf32, #tpu.memory_space<vmem>> -> memref<64x128xf32, #tpu.memory_space<vmem>>
    tpu.enqueue_dma source(%dma_start3A_41 : memref<64x128xf32, #tpu.memory_space<vmem>>) target(%dma_start3A_38 : memref<64x128xf32, #tpu.memory_space<hbm>>) target_semaphore(%arg10 : memref<!tpu.dma_semaphore, #tpu.memory_space<semaphore_mem>>)
    %scan3A_42 = arith.constant 0 : i32
    %scan3A_43 = arith.constant 0 : i32
    %scan3A_44 = arith.constant 32 : i32
    %scan3A_45 = arith.addi %scan3A_43, %scan3A_44 : i32
    %scan3A_46 = arith.constant 1 : i32
    scf.for %scan3A_82 = %scan3A_43 to %scan3A_45 step %scan3A_46  : i32 {
      %mul3A_83 = arith.constant 2 : i32
      %mul3A_84 = arith.muli %mul3A_83, %scan3A_82 : i32
      %add3A_85 = arith.constant 64 : i32
      %add3A_86 = arith.addi %add3A_85, %mul3A_84 : i32
      %add3A_87 = arith.constant 0 : i32
      %add3A_88 = arith.addi %add3A_86, %add3A_87 : i32
      %get3A = arith.index_cast %add3A_88 : i32 to index
      %get3A_89 = arith.constant 0 : index
      %get3A_90 = tpu.vector_load %arg5[%get3A, %get3A_89] {strides = array<i32>} : memref<128x128xf32, #tpu.memory_space<vmem>>, vector<1x16xf32>,
      %get3A_91 = vector.shape_cast %get3A_90 : vector<1x16xf32> to vector<16xf32>
      %add3A_92 = arith.constant 0 : i32
      %add3A_93 = arith.addi %add3A_86, %add3A_92 : i32
      %get3A_94 = arith.index_cast %add3A_93 : i32 to index
      %get3A_95 = arith.constant 0 : index
      %get3A_96 = tpu.vector_load %arg6[%get3A_94, %get3A_95] {strides = array<i32>} : memref<128x128xf32, #tpu.memory_space<vmem>>, vector<1x16xf32>,
      %get3A_97 = vector.shape_cast %get3A_96 : vector<1x16xf32> to vector<16xf32>
      %add3A_98 = arith.addf %get3A_91, %get3A_97 : vector<16xf32>
      %mul3A_99 = arith.constant 5.000000e-01 : f32
      %mul3A_100 = vector.broadcast %mul3A_99 : f32 to vector<16xf32>
      %mul3A_101 = arith.mulf %mul3A_100, %add3A_98 : vector<16xf32>
      %add3A_102 = arith.constant 0 : i32
      %add3A_103 = arith.addi %add3A_86, %add3A_102 : i32
      %swap3A = arith.index_cast %add3A_103 : i32 to index
      %swap3A_104 = arith.constant 0 : index
      %swap3A_105 = tpu.vector_load %arg7[%swap3A, %swap3A_104] {strides = array<i32>} : memref<128x128xf32, #tpu.memory_space<vmem>>, vector<1x16xf32>,
      %swap3A_106 = vector.shape_cast %swap3A_105 : vector<1x16xf32> to vector<16xf32>
      %swap3A_107 = vector.shape_cast %mul3A_101 : vector<16xf32> to vector<1x16xf32>
      tpu.vector_store %arg7[%swap3A, %swap3A_104], %swap3A_107 {strides = array<i32>} : memref<128x128xf32, #tpu.memory_space<vmem>>, vector<1x16xf32>,
      %add3A_108 = arith.constant 0 : i32
      %add3A_109 = arith.addi %add3A_86, %add3A_108 : i32
      %get3A_110 = arith.index_cast %add3A_109 : i32 to index
      %get3A_111 = arith.constant 16 : index
      %get3A_112 = tpu.vector_load %arg5[%get3A_110, %get3A_111] {strides = array<i32>} : memref<128x128xf32, #tpu.memory_space<vmem>>, vector<1x16xf32>,
      %get3A_113 = vector.shape_cast %get3A_112 : vector<1x16xf32> to vector<16xf32>
      %add3A_114 = arith.constant 0 : i32
      %add3A_115 = arith.addi %add3A_86, %add3A_114 : i32
      %get3A_116 = arith.index_cast %add3A_115 : i32 to index
      %get3A_117 = arith.constant 16 : index
      %get3A_118 = tpu.vector_load %arg6[%get3A_116, %get3A_117] {strides = array<i32>} : memref<128x128xf32, #tpu.memory_space<vmem>>, vector<1x16xf32>,
      %get3A_119 = vector.shape_cast %get3A_118 : vector<1x16xf32> to vector<16xf32>
      %add3A_120 = arith.addf %get3A_113, %get3A_119 : vector<16xf32>
      %mul3A_121 = arith.constant 5.000000e-01 : f32
      %mul3A_122 = vector.broadcast %mul3A_121 : f32 to vector<16xf32>
      %mul3A_123 = arith.mulf %mul3A_122, %add3A_120 : vector<16xf32>
      %add3A_124 = arith.constant 0 : i32
      %add3A_125 = arith.addi %add3A_86, %add3A_124 : i32
      %swap3A_126 = arith.index_cast %add3A_125 : i32 to index
      %swap3A_127 = arith.constant 16 : index
      %swap3A_128 = tpu.vector_load %arg7[%swap3A_126, %swap3A_127] {strides = array<i32>} : memref<128x128xf32, #tpu.memory_space<vmem>>, vector<1x16xf32>,
      %swap3A_129 = vector.shape_cast %swap3A_128 : vector<1x16xf32> to vector<16xf32>
      %swap3A_130 = vector.shape_cast %mul3A_123 : vector<16xf32> to vector<1x16xf32>
      tpu.vector_store %arg7[%swap3A_126, %swap3A_127], %swap3A_130 {strides = array<i32>} : memref<128x128xf32, #tpu.memory_space<vmem>>, vector<1x16xf32>,
      %add3A_131 = arith.constant 0 : i32
      %add3A_132 = arith.addi %add3A_86, %add3A_131 : i32
      %get3A_133 = arith.index_cast %add3A_132 : i32 to index
      %get3A_134 = arith.constant 32 : index
      %get3A_135 = tpu.vector_load %arg5[%get3A_133, %get3A_134] {strides = array<i32>} : memref<128x128xf32, #tpu.memory_space<vmem>>, vector<1x16xf32>,
      %get3A_136 = vector.shape_cast %get3A_135 : vector<1x16xf32> to vector<16xf32>
      %add3A_137 = arith.constant 0 : i32
      %add3A_138 = arith.addi %add3A_86, %add3A_137 : i32
      %get3A_139 = arith.index_cast %add3A_138 : i32 to index
      %get3A_140 = arith.constant 32 : index
      %get3A_141 = tpu.vector_load %arg6[%get3A_139, %get3A_140] {strides = array<i32>} : memref<128x128xf32, #tpu.memory_space<vmem>>, vector<1x16xf32>,
      %get3A_142 = vector.shape_cast %get3A_141 : vector<1x16xf32> to vector<16xf32>
      %add3A_143 = arith.addf %get3A_136, %get3A_142 : vector<16xf32>
      %mul3A_144 = arith.constant 5.000000e-01 : f32
      %mul3A_145 = vector.broadcast %mul3A_144 : f32 to vector<16xf32>
      %mul3A_146 = arith.mulf %mul3A_145, %add3A_143 : vector<16xf32>
      %add3A_147 = arith.constant 0 : i32
      %add3A_148 = arith.addi %add3A_86, %add3A_147 : i32
      %swap3A_149 = arith.index_cast %add3A_148 : i32 to index
      %swap3A_150 = arith.constant 32 : index
      %swap3A_151 = tpu.vector_load %arg7[%swap3A_149, %swap3A_150] {strides = array<i32>} : memref<128x128xf32, #tpu.memory_space<vmem>>, vector<1x16xf32>,
      %swap3A_152 = vector.shape_cast %swap3A_151 : vector<1x16xf32> to vector<16xf32>
      %swap3A_153 = vector.shape_cast %mul3A_146 : vector<16xf32> to vector<1x16xf32>
      tpu.vector_store %arg7[%swap3A_149, %swap3A_150], %swap3A_153 {strides = array<i32>} : memref<128x128xf32, #tpu.memory_space<vmem>>, vector<1x16xf32>,
      %add3A_154 = arith.constant 0 : i32
      %add3A_155 = arith.addi %add3A_86, %add3A_154 : i32
      %get3A_156 = arith.index_cast %add3A_155 : i32 to index
      %get3A_157 = arith.constant 48 : index
      %get3A_158 = tpu.vector_load %arg5[%get3A_156, %get3A_157] {strides = array<i32>} : memref<128x128xf32, #tpu.memory_space<vmem>>, vector<1x16xf32>,
      %get3A_159 = vector.shape_cast %get3A_158 : vector<1x16xf32> to vector<16xf32>
      %add3A_160 = arith.constant 0 : i32
      %add3A_161 = arith.addi %add3A_86, %add3A_160 : i32
      %get3A_162 = arith.index_cast %add3A_161 : i32 to index
      %get3A_163 = arith.constant 48 : index
      %get3A_164 = tpu.vector_load %arg6[%get3A_162, %get3A_163] {strides = array<i32>} : memref<128x128xf32, #tpu.memory_space<vmem>>, vector<1x16xf32>,
      %get3A_165 = vector.shape_cast %get3A_164 : vector<1x16xf32> to vector<16xf32>
      %add3A_166 = arith.addf %get3A_159, %get3A_165 : vector<16xf32>
      %mul3A_167 = arith.constant 5.000000e-01 : f32
      %mul3A_168 = vector.broadcast %mul3A_167 : f32 to vector<16xf32>
      %mul3A_169 = arith.mulf %mul3A_168, %add3A_166 : vector<16xf32>
      %add3A_170 = arith.constant 0 : i32
      %add3A_171 = arith.addi %add3A_86, %add3A_170 : i32
      %swap3A_172 = arith.index_cast %add3A_171 : i32 to index
      %swap3A_173 = arith.constant 48 : index
      %swap3A_174 = tpu.vector_load %arg7[%swap3A_172, %swap3A_173] {strides = array<i32>} : memref<128x128xf32, #tpu.memory_space<vmem>>, vector<1x16xf32>,
      %swap3A_175 = vector.shape_cast %swap3A_174 : vector<1x16xf32> to vector<16xf32>
      %swap3A_176 = vector.shape_cast %mul3A_169 : vector<16xf32> to vector<1x16xf32>
      tpu.vector_store %arg7[%swap3A_172, %swap3A_173], %swap3A_176 {strides = array<i32>} : memref<128x128xf32, #tpu.memory_space<vmem>>, vector<1x16xf32>,
      %add3A_177 = arith.constant 0 : i32
      %add3A_178 = arith.addi %add3A_86, %add3A_177 : i32
      %get3A_179 = arith.index_cast %add3A_178 : i32 to index
      %get3A_180 = arith.constant 64 : index
      %get3A_181 = tpu.vector_load %arg5[%get3A_179, %get3A_180] {strides = array<i32>} : memref<128x128xf32, #tpu.memory_space<vmem>>, vector<1x16xf32>,
      %get3A_182 = vector.shape_cast %get3A_181 : vector<1x16xf32> to vector<16xf32>
      %add3A_183 = arith.constant 0 : i32
      %add3A_184 = arith.addi %add3A_86, %add3A_183 : i32
      %get3A_185 = arith.index_cast %add3A_184 : i32 to index
      %get3A_186 = arith.constant 64 : index
      %get3A_187 = tpu.vector_load %arg6[%get3A_185, %get3A_186] {strides = array<i32>} : memref<128x128xf32, #tpu.memory_space<vmem>>, vector<1x16xf32>,
      %get3A_188 = vector.shape_cast %get3A_187 : vector<1x16xf32> to vector<16xf32>
      %add3A_189 = arith.addf %get3A_182, %get3A_188 : vector<16xf32>
      %mul3A_190 = arith.constant 5.000000e-01 : f32
      %mul3A_191 = vector.broadcast %mul3A_190 : f32 to vector<16xf32>
      %mul3A_192 = arith.mulf %mul3A_191, %add3A_189 : vector<16xf32>
      %add3A_193 = arith.constant 0 : i32
      %add3A_194 = arith.addi %add3A_86, %add3A_193 : i32
      %swap3A_195 = arith.index_cast %add3A_194 : i32 to index
      %swap3A_196 = arith.constant 64 : index
      %swap3A_197 = tpu.vector_load %arg7[%swap3A_195, %swap3A_196] {strides = array<i32>} : memref<128x128xf32, #tpu.memory_space<vmem>>, vector<1x16xf32>,
      %swap3A_198 = vector.shape_cast %swap3A_197 : vector<1x16xf32> to vector<16xf32>
      %swap3A_199 = vector.shape_cast %mul3A_192 : vector<16xf32> to vector<1x16xf32>
      tpu.vector_store %arg7[%swap3A_195, %swap3A_196], %swap3A_199 {strides = array<i32>} : memref<128x128xf32, #tpu.memory_space<vmem>>, vector<1x16xf32>,
      %add3A_200 = arith.constant 0 : i32
      %add3A_201 = arith.addi %add3A_86, %add3A_200 : i32
      %get3A_202 = arith.index_cast %add3A_201 : i32 to index
      %get3A_203 = arith.constant 80 : index
      %get3A_204 = tpu.vector_load %arg5[%get3A_202, %get3A_203] {strides = array<i32>} : memref<128x128xf32, #tpu.memory_space<vmem>>, vector<1x16xf32>,
      %get3A_205 = vector.shape_cast %get3A_204 : vector<1x16xf32> to vector<16xf32>
      %add3A_206 = arith.constant 0 : i32
      %add3A_207 = arith.addi %add3A_86, %add3A_206 : i32
      %get3A_208 = arith.index_cast %add3A_207 : i32 to index
      %get3A_209 = arith.constant 80 : index
      %get3A_210 = tpu.vector_load %arg6[%get3A_208, %get3A_209] {strides = array<i32>} : memref<128x128xf32, #tpu.memory_space<vmem>>, vector<1x16xf32>,
      %get3A_211 = vector.shape_cast %get3A_210 : vector<1x16xf32> to vector<16xf32>
      %add3A_212 = arith.addf %get3A_205, %get3A_211 : vector<16xf32>
      %mul3A_213 = arith.constant 5.000000e-01 : f32
      %mul3A_214 = vector.broadcast %mul3A_213 : f32 to vector<16xf32>
      %mul3A_215 = arith.mulf %mul3A_214, %add3A_212 : vector<16xf32>
      %add3A_216 = arith.constant 0 : i32
      %add3A_217 = arith.addi %add3A_86, %add3A_216 : i32
      %swap3A_218 = arith.index_cast %add3A_217 : i32 to index
      %swap3A_219 = arith.constant 80 : index
      %swap3A_220 = tpu.vector_load %arg7[%swap3A_218, %swap3A_219] {strides = array<i32>} : memref<128x128xf32, #tpu.memory_space<vmem>>, vector<1x16xf32>,
      %swap3A_221 = vector.shape_cast %swap3A_220 : vector<1x16xf32> to vector<16xf32>
      %swap3A_222 = vector.shape_cast %mul3A_215 : vector<16xf32> to vector<1x16xf32>
      tpu.vector_store %arg7[%swap3A_218, %swap3A_219], %swap3A_222 {strides = array<i32>} : memref<128x128xf32, #tpu.memory_space<vmem>>, vector<1x16xf32>,
      %add3A_223 = arith.constant 0 : i32
      %add3A_224 = arith.addi %add3A_86, %add3A_223 : i32
      %get3A_225 = arith.index_cast %add3A_224 : i32 to index
      %get3A_226 = arith.constant 96 : index
      %get3A_227 = tpu.vector_load %arg5[%get3A_225, %get3A_226] {strides = array<i32>} : memref<128x128xf32, #tpu.memory_space<vmem>>, vector<1x16xf32>,
      %get3A_228 = vector.shape_cast %get3A_227 : vector<1x16xf32> to vector<16xf32>
      %add3A_229 = arith.constant 0 : i32
      %add3A_230 = arith.addi %add3A_86, %add3A_229 : i32
      %get3A_231 = arith.index_cast %add3A_230 : i32 to index
      %get3A_232 = arith.constant 96 : index
      %get3A_233 = tpu.vector_load %arg6[%get3A_231, %get3A_232] {strides = array<i32>} : memref<128x128xf32, #tpu.memory_space<vmem>>, vector<1x16xf32>,
      %get3A_234 = vector.shape_cast %get3A_233 : vector<1x16xf32> to vector<16xf32>
      %add3A_235 = arith.addf %get3A_228, %get3A_234 : vector<16xf32>
      %mul3A_236 = arith.constant 5.000000e-01 : f32
      %mul3A_237 = vector.broadcast %mul3A_236 : f32 to vector<16xf32>
      %mul3A_238 = arith.mulf %mul3A_237, %add3A_235 : vector<16xf32>
      %add3A_239 = arith.constant 0 : i32
      %add3A_240 = arith.addi %add3A_86, %add3A_239 : i32
      %swap3A_241 = arith.index_cast %add3A_240 : i32 to index
      %swap3A_242 = arith.constant 96 : index
      %swap3A_243 = tpu.vector_load %arg7[%swap3A_241, %swap3A_242] {strides = array<i32>} : memref<128x128xf32, #tpu.memory_space<vmem>>, vector<1x16xf32>,
      %swap3A_244 = vector.shape_cast %swap3A_243 : vector<1x16xf32> to vector<16xf32>
      %swap3A_245 = vector.shape_cast %mul3A_238 : vector<16xf32> to vector<1x16xf32>
      tpu.vector_store %arg7[%swap3A_241, %swap3A_242], %swap3A_245 {strides = array<i32>} : memref<128x128xf32, #tpu.memory_space<vmem>>, vector<1x16xf32>,
      %add3A_246 = arith.constant 0 : i32
      %add3A_247 = arith.addi %add3A_86, %add3A_246 : i32
      %get3A_248 = arith.index_cast %add3A_247 : i32 to index
      %get3A_249 = arith.constant 112 : index
      %get3A_250 = tpu.vector_load %arg5[%get3A_248, %get3A_249] {strides = array<i32>} : memref<128x128xf32, #tpu.memory_space<vmem>>, vector<1x16xf32>,
      %get3A_251 = vector.shape_cast %get3A_250 : vector<1x16xf32> to vector<16xf32>
      %add3A_252 = arith.constant 0 : i32
      %add3A_253 = arith.addi %add3A_86, %add3A_252 : i32
      %get3A_254 = arith.index_cast %add3A_253 : i32 to index
      %get3A_255 = arith.constant 112 : index
      %get3A_256 = tpu.vector_load %arg6[%get3A_254, %get3A_255] {strides = array<i32>} : memref<128x128xf32, #tpu.memory_space<vmem>>, vector<1x16xf32>,
      %get3A_257 = vector.shape_cast %get3A_256 : vector<1x16xf32> to vector<16xf32>
      %add3A_258 = arith.addf %get3A_251, %get3A_257 : vector<16xf32>
      %mul3A_259 = arith.constant 5.000000e-01 : f32
      %mul3A_260 = vector.broadcast %mul3A_259 : f32 to vector<16xf32>
      %mul3A_261 = arith.mulf %mul3A_260, %add3A_258 : vector<16xf32>
      %add3A_262 = arith.constant 0 : i32
      %add3A_263 = arith.addi %add3A_86, %add3A_262 : i32
      %swap3A_264 = arith.index_cast %add3A_263 : i32 to index
      %swap3A_265 = arith.constant 112 : index
      %swap3A_266 = tpu.vector_load %arg7[%swap3A_264, %swap3A_265] {strides = array<i32>} : memref<128x128xf32, #tpu.memory_space<vmem>>, vector<1x16xf32>,
      %swap3A_267 = vector.shape_cast %swap3A_266 : vector<1x16xf32> to vector<16xf32>
      %swap3A_268 = vector.shape_cast %mul3A_261 : vector<16xf32> to vector<1x16xf32>
      tpu.vector_store %arg7[%swap3A_264, %swap3A_265], %swap3A_268 {strides = array<i32>} : memref<128x128xf32, #tpu.memory_space<vmem>>, vector<1x16xf32>,
      %add3A_269 = arith.constant 1 : i32
      %add3A_270 = arith.addi %add3A_86, %add3A_269 : i32
      %get3A_271 = arith.index_cast %add3A_270 : i32 to index
      %get3A_272 = arith.constant 0 : index
      %get3A_273 = tpu.vector_load %arg5[%get3A_271, %get3A_272] {strides = array<i32>} : memref<128x128xf32, #tpu.memory_space<vmem>>, vector<1x16xf32>,
      %get3A_274 = vector.shape_cast %get3A_273 : vector<1x16xf32> to vector<16xf32>
      %add3A_275 = arith.constant 1 : i32
      %add3A_276 = arith.addi %add3A_86, %add3A_275 : i32
      %get3A_277 = arith.index_cast %add3A_276 : i32 to index
      %get3A_278 = arith.constant 0 : index
      %get3A_279 = tpu.vector_load %arg6[%get3A_277, %get3A_278] {strides = array<i32>} : memref<128x128xf32, #tpu.memory_space<vmem>>, vector<1x16xf32>,
      %get3A_280 = vector.shape_cast %get3A_279 : vector<1x16xf32> to vector<16xf32>
      %add3A_281 = arith.addf %get3A_274, %get3A_280 : vector<16xf32>
      %mul3A_282 = arith.constant 5.000000e-01 : f32
      %mul3A_283 = vector.broadcast %mul3A_282 : f32 to vector<16xf32>
      %mul3A_284 = arith.mulf %mul3A_283, %add3A_281 : vector<16xf32>
      %add3A_285 = arith.constant 1 : i32
      %add3A_286 = arith.addi %add3A_86, %add3A_285 : i32
      %swap3A_287 = arith.index_cast %add3A_286 : i32 to index
      %swap3A_288 = arith.constant 0 : index
      %swap3A_289 = tpu.vector_load %arg7[%swap3A_287, %swap3A_288] {strides = array<i32>} : memref<128x128xf32, #tpu.memory_space<vmem>>, vector<1x16xf32>,
      %swap3A_290 = vector.shape_cast %swap3A_289 : vector<1x16xf32> to vector<16xf32>
      %swap3A_291 = vector.shape_cast %mul3A_284 : vector<16xf32> to vector<1x16xf32>
      tpu.vector_store %arg7[%swap3A_287, %swap3A_288], %swap3A_291 {strides = array<i32>} : memref<128x128xf32, #tpu.memory_space<vmem>>, vector<1x16xf32>,
      %add3A_292 = arith.constant 1 : i32
      %add3A_293 = arith.addi %add3A_86, %add3A_292 : i32
      %get3A_294 = arith.index_cast %add3A_293 : i32 to index
      %get3A_295 = arith.constant 16 : index
      %get3A_296 = tpu.vector_load %arg5[%get3A_294, %get3A_295] {strides = array<i32>} : memref<128x128xf32, #tpu.memory_space<vmem>>, vector<1x16xf32>,
      %get3A_297 = vector.shape_cast %get3A_296 : vector<1x16xf32> to vector<16xf32>
      %add3A_298 = arith.constant 1 : i32
      %add3A_299 = arith.addi %add3A_86, %add3A_298 : i32
      %get3A_300 = arith.index_cast %add3A_299 : i32 to index
      %get3A_301 = arith.constant 16 : index
      %get3A_302 = tpu.vector_load %arg6[%get3A_300, %get3A_301] {strides = array<i32>} : memref<128x128xf32, #tpu.memory_space<vmem>>, vector<1x16xf32>,
      %get3A_303 = vector.shape_cast %get3A_302 : vector<1x16xf32> to vector<16xf32>
      %add3A_304 = arith.addf %get3A_297, %get3A_303 : vector<16xf32>
      %mul3A_305 = arith.constant 5.000000e-01 : f32
      %mul3A_306 = vector.broadcast %mul3A_305 : f32 to vector<16xf32>
      %mul3A_307 = arith.mulf %mul3A_306, %add3A_304 : vector<16xf32>
      %add3A_308 = arith.constant 1 : i32
      %add3A_309 = arith.addi %add3A_86, %add3A_308 : i32
      %swap3A_310 = arith.index_cast %add3A_309 : i32 to index
      %swap3A_311 = arith.constant 16 : index
      %swap3A_312 = tpu.vector_load %arg7[%swap3A_310, %swap3A_311] {strides = array<i32>} : memref<128x128xf32, #tpu.memory_space<vmem>>, vector<1x16xf32>,
      %swap3A_313 = vector.shape_cast %swap3A_312 : vector<1x16xf32> to vector<16xf32>
      %swap3A_314 = vector.shape_cast %mul3A_307 : vector<16xf32> to vector<1x16xf32>
      tpu.vector_store %arg7[%swap3A_310, %swap3A_311], %swap3A_314 {strides = array<i32>} : memref<128x128xf32, #tpu.memory_space<vmem>>, vector<1x16xf32>,
      %add3A_315 = arith.constant 1 : i32
      %add3A_316 = arith.addi %add3A_86, %add3A_315 : i32
      %get3A_317 = arith.index_cast %add3A_316 : i32 to index
      %get3A_318 = arith.constant 32 : index
      %get3A_319 = tpu.vector_load %arg5[%get3A_317, %get3A_318] {strides = array<i32>} : memref<128x128xf32, #tpu.memory_space<vmem>>, vector<1x16xf32>,
      %get3A_320 = vector.shape_cast %get3A_319 : vector<1x16xf32> to vector<16xf32>
      %add3A_321 = arith.constant 1 : i32
      %add3A_322 = arith.addi %add3A_86, %add3A_321 : i32
      %get3A_323 = arith.index_cast %add3A_322 : i32 to index
      %get3A_324 = arith.constant 32 : index
      %get3A_325 = tpu.vector_load %arg6[%get3A_323, %get3A_324] {strides = array<i32>} : memref<128x128xf32, #tpu.memory_space<vmem>>, vector<1x16xf32>,
      %get3A_326 = vector.shape_cast %get3A_325 : vector<1x16xf32> to vector<16xf32>
      %add3A_327 = arith.addf %get3A_320, %get3A_326 : vector<16xf32>
      %mul3A_328 = arith.constant 5.000000e-01 : f32
      %mul3A_329 = vector.broadcast %mul3A_328 : f32 to vector<16xf32>
      %mul3A_330 = arith.mulf %mul3A_329, %add3A_327 : vector<16xf32>
      %add3A_331 = arith.constant 1 : i32
      %add3A_332 = arith.addi %add3A_86, %add3A_331 : i32
      %swap3A_333 = arith.index_cast %add3A_332 : i32 to index
      %swap3A_334 = arith.constant 32 : index
      %swap3A_335 = tpu.vector_load %arg7[%swap3A_333, %swap3A_334] {strides = array<i32>} : memref<128x128xf32, #tpu.memory_space<vmem>>, vector<1x16xf32>,
      %swap3A_336 = vector.shape_cast %swap3A_335 : vector<1x16xf32> to vector<16xf32>
      %swap3A_337 = vector.shape_cast %mul3A_330 : vector<16xf32> to vector<1x16xf32>
      tpu.vector_store %arg7[%swap3A_333, %swap3A_334], %swap3A_337 {strides = array<i32>} : memref<128x128xf32, #tpu.memory_space<vmem>>, vector<1x16xf32>,
      %add3A_338 = arith.constant 1 : i32
      %add3A_339 = arith.addi %add3A_86, %add3A_338 : i32
      %get3A_340 = arith.index_cast %add3A_339 : i32 to index
      %get3A_341 = arith.constant 48 : index
      %get3A_342 = tpu.vector_load %arg5[%get3A_340, %get3A_341] {strides = array<i32>} : memref<128x128xf32, #tpu.memory_space<vmem>>, vector<1x16xf32>,
      %get3A_343 = vector.shape_cast %get3A_342 : vector<1x16xf32> to vector<16xf32>
      %add3A_344 = arith.constant 1 : i32
      %add3A_345 = arith.addi %add3A_86, %add3A_344 : i32
      %get3A_346 = arith.index_cast %add3A_345 : i32 to index
      %get3A_347 = arith.constant 48 : index
      %get3A_348 = tpu.vector_load %arg6[%get3A_346, %get3A_347] {strides = array<i32>} : memref<128x128xf32, #tpu.memory_space<vmem>>, vector<1x16xf32>,
      %get3A_349 = vector.shape_cast %get3A_348 : vector<1x16xf32> to vector<16xf32>
      %add3A_350 = arith.addf %get3A_343, %get3A_349 : vector<16xf32>
      %mul3A_351 = arith.constant 5.000000e-01 : f32
      %mul3A_352 = vector.broadcast %mul3A_351 : f32 to vector<16xf32>
      %mul3A_353 = arith.mulf %mul3A_352, %add3A_350 : vector<16xf32>
      %add3A_354 = arith.constant 1 : i32
      %add3A_355 = arith.addi %add3A_86, %add3A_354 : i32
      %swap3A_356 = arith.index_cast %add3A_355 : i32 to index
      %swap3A_357 = arith.constant 48 : index
      %swap3A_358 = tpu.vector_load %arg7[%swap3A_356, %swap3A_357] {strides = array<i32>} : memref<128x128xf32, #tpu.memory_space<vmem>>, vector<1x16xf32>,
      %swap3A_359 = vector.shape_cast %swap3A_358 : vector<1x16xf32> to vector<16xf32>
      %swap3A_360 = vector.shape_cast %mul3A_353 : vector<16xf32> to vector<1x16xf32>
      tpu.vector_store %arg7[%swap3A_356, %swap3A_357], %swap3A_360 {strides = array<i32>} : memref<128x128xf32, #tpu.memory_space<vmem>>, vector<1x16xf32>,
      %add3A_361 = arith.constant 1 : i32
      %add3A_362 = arith.addi %add3A_86, %add3A_361 : i32
      %get3A_363 = arith.index_cast %add3A_362 : i32 to index
      %get3A_364 = arith.constant 64 : index
      %get3A_365 = tpu.vector_load %arg5[%get3A_363, %get3A_364] {strides = array<i32>} : memref<128x128xf32, #tpu.memory_space<vmem>>, vector<1x16xf32>,
      %get3A_366 = vector.shape_cast %get3A_365 : vector<1x16xf32> to vector<16xf32>
      %add3A_367 = arith.constant 1 : i32
      %add3A_368 = arith.addi %add3A_86, %add3A_367 : i32
      %get3A_369 = arith.index_cast %add3A_368 : i32 to index
      %get3A_370 = arith.constant 64 : index
      %get3A_371 = tpu.vector_load %arg6[%get3A_369, %get3A_370] {strides = array<i32>} : memref<128x128xf32, #tpu.memory_space<vmem>>, vector<1x16xf32>,
      %get3A_372 = vector.shape_cast %get3A_371 : vector<1x16xf32> to vector<16xf32>
      %add3A_373 = arith.addf %get3A_366, %get3A_372 : vector<16xf32>
      %mul3A_374 = arith.constant 5.000000e-01 : f32
      %mul3A_375 = vector.broadcast %mul3A_374 : f32 to vector<16xf32>
      %mul3A_376 = arith.mulf %mul3A_375, %add3A_373 : vector<16xf32>
      %add3A_377 = arith.constant 1 : i32
      %add3A_378 = arith.addi %add3A_86, %add3A_377 : i32
      %swap3A_379 = arith.index_cast %add3A_378 : i32 to index
      %swap3A_380 = arith.constant 64 : index
      %swap3A_381 = tpu.vector_load %arg7[%swap3A_379, %swap3A_380] {strides = array<i32>} : memref<128x128xf32, #tpu.memory_space<vmem>>, vector<1x16xf32>,
      %swap3A_382 = vector.shape_cast %swap3A_381 : vector<1x16xf32> to vector<16xf32>
      %swap3A_383 = vector.shape_cast %mul3A_376 : vector<16xf32> to vector<1x16xf32>
      tpu.vector_store %arg7[%swap3A_379, %swap3A_380], %swap3A_383 {strides = array<i32>} : memref<128x128xf32, #tpu.memory_space<vmem>>, vector<1x16xf32>,
      %add3A_384 = arith.constant 1 : i32
      %add3A_385 = arith.addi %add3A_86, %add3A_384 : i32
      %get3A_386 = arith.index_cast %add3A_385 : i32 to index
      %get3A_387 = arith.constant 80 : index
      %get3A_388 = tpu.vector_load %arg5[%get3A_386, %get3A_387] {strides = array<i32>} : memref<128x128xf32, #tpu.memory_space<vmem>>, vector<1x16xf32>,
      %get3A_389 = vector.shape_cast %get3A_388 : vector<1x16xf32> to vector<16xf32>
      %add3A_390 = arith.constant 1 : i32
      %add3A_391 = arith.addi %add3A_86, %add3A_390 : i32
      %get3A_392 = arith.index_cast %add3A_391 : i32 to index
      %get3A_393 = arith.constant 80 : index
      %get3A_394 = tpu.vector_load %arg6[%get3A_392, %get3A_393] {strides = array<i32>} : memref<128x128xf32, #tpu.memory_space<vmem>>, vector<1x16xf32>,
      %get3A_395 = vector.shape_cast %get3A_394 : vector<1x16xf32> to vector<16xf32>
      %add3A_396 = arith.addf %get3A_389, %get3A_395 : vector<16xf32>
      %mul3A_397 = arith.constant 5.000000e-01 : f32
      %mul3A_398 = vector.broadcast %mul3A_397 : f32 to vector<16xf32>
      %mul3A_399 = arith.mulf %mul3A_398, %add3A_396 : vector<16xf32>
      %add3A_400 = arith.constant 1 : i32
      %add3A_401 = arith.addi %add3A_86, %add3A_400 : i32
      %swap3A_402 = arith.index_cast %add3A_401 : i32 to index
      %swap3A_403 = arith.constant 80 : index
      %swap3A_404 = tpu.vector_load %arg7[%swap3A_402, %swap3A_403] {strides = array<i32>} : memref<128x128xf32, #tpu.memory_space<vmem>>, vector<1x16xf32>,
      %swap3A_405 = vector.shape_cast %swap3A_404 : vector<1x16xf32> to vector<16xf32>
      %swap3A_406 = vector.shape_cast %mul3A_399 : vector<16xf32> to vector<1x16xf32>
      tpu.vector_store %arg7[%swap3A_402, %swap3A_403], %swap3A_406 {strides = array<i32>} : memref<128x128xf32, #tpu.memory_space<vmem>>, vector<1x16xf32>,
      %add3A_407 = arith.constant 1 : i32
      %add3A_408 = arith.addi %add3A_86, %add3A_407 : i32
      %get3A_409 = arith.index_cast %add3A_408 : i32 to index
      %get3A_410 = arith.constant 96 : index
      %get3A_411 = tpu.vector_load %arg5[%get3A_409, %get3A_410] {strides = array<i32>} : memref<128x128xf32, #tpu.memory_space<vmem>>, vector<1x16xf32>,
      %get3A_412 = vector.shape_cast %get3A_411 : vector<1x16xf32> to vector<16xf32>
      %add3A_413 = arith.constant 1 : i32
      %add3A_414 = arith.addi %add3A_86, %add3A_413 : i32
      %get3A_415 = arith.index_cast %add3A_414 : i32 to index
      %get3A_416 = arith.constant 96 : index
      %get3A_417 = tpu.vector_load %arg6[%get3A_415, %get3A_416] {strides = array<i32>} : memref<128x128xf32, #tpu.memory_space<vmem>>, vector<1x16xf32>,
      %get3A_418 = vector.shape_cast %get3A_417 : vector<1x16xf32> to vector<16xf32>
      %add3A_419 = arith.addf %get3A_412, %get3A_418 : vector<16xf32>
      %mul3A_420 = arith.constant 5.000000e-01 : f32
      %mul3A_421 = vector.broadcast %mul3A_420 : f32 to vector<16xf32>
      %mul3A_422 = arith.mulf %mul3A_421, %add3A_419 : vector<16xf32>
      %add3A_423 = arith.constant 1 : i32
      %add3A_424 = arith.addi %add3A_86, %add3A_423 : i32
      %swap3A_425 = arith.index_cast %add3A_424 : i32 to index
      %swap3A_426 = arith.constant 96 : index
      %swap3A_427 = tpu.vector_load %arg7[%swap3A_425, %swap3A_426] {strides = array<i32>} : memref<128x128xf32, #tpu.memory_space<vmem>>, vector<1x16xf32>,
      %swap3A_428 = vector.shape_cast %swap3A_427 : vector<1x16xf32> to vector<16xf32>
      %swap3A_429 = vector.shape_cast %mul3A_422 : vector<16xf32> to vector<1x16xf32>
      tpu.vector_store %arg7[%swap3A_425, %swap3A_426], %swap3A_429 {strides = array<i32>} : memref<128x128xf32, #tpu.memory_space<vmem>>, vector<1x16xf32>,
      %add3A_430 = arith.constant 1 : i32
      %add3A_431 = arith.addi %add3A_86, %add3A_430 : i32
      %get3A_432 = arith.index_cast %add3A_431 : i32 to index
      %get3A_433 = arith.constant 112 : index
      %get3A_434 = tpu.vector_load %arg5[%get3A_432, %get3A_433] {strides = array<i32>} : memref<128x128xf32, #tpu.memory_space<vmem>>, vector<1x16xf32>,
      %get3A_435 = vector.shape_cast %get3A_434 : vector<1x16xf32> to vector<16xf32>
      %add3A_436 = arith.constant 1 : i32
      %add3A_437 = arith.addi %add3A_86, %add3A_436 : i32
      %get3A_438 = arith.index_cast %add3A_437 : i32 to index
      %get3A_439 = arith.constant 112 : index
      %get3A_440 = tpu.vector_load %arg6[%get3A_438, %get3A_439] {strides = array<i32>} : memref<128x128xf32, #tpu.memory_space<vmem>>, vector<1x16xf32>,
      %get3A_441 = vector.shape_cast %get3A_440 : vector<1x16xf32> to vector<16xf32>
      %add3A_442 = arith.addf %get3A_435, %get3A_441 : vector<16xf32>
      %mul3A_443 = arith.constant 5.000000e-01 : f32
      %mul3A_444 = vector.broadcast %mul3A_443 : f32 to vector<16xf32>
      %mul3A_445 = arith.mulf %mul3A_444, %add3A_442 : vector<16xf32>
      %add3A_446 = arith.constant 1 : i32
      %add3A_447 = arith.addi %add3A_86, %add3A_446 : i32
      %swap3A_448 = arith.index_cast %add3A_447 : i32 to index
      %swap3A_449 = arith.constant 112 : index
      %swap3A_450 = tpu.vector_load %arg7[%swap3A_448, %swap3A_449] {strides = array<i32>} : memref<128x128xf32, #tpu.memory_space<vmem>>, vector<1x16xf32>,
      %swap3A_451 = vector.shape_cast %swap3A_450 : vector<1x16xf32> to vector<16xf32>
      %swap3A_452 = vector.shape_cast %mul3A_445 : vector<16xf32> to vector<1x16xf32>
      tpu.vector_store %arg7[%swap3A_448, %swap3A_449], %swap3A_452 {strides = array<i32>} : memref<128x128xf32, #tpu.memory_space<vmem>>, vector<1x16xf32>,
    }
    %scan3A_47 = arith.constant 32 : i32
    %mul3A_48 = arith.constant 128 : i32
    %mul3A_49 = arith.muli %mul3A_48, %add3A : i32
    %add3A_50 = arith.constant 64 : i32
    %add3A_51 = arith.addi %mul3A_49, %add3A_50 : i32
    %dma_start3A_52 = arith.constant 64 : i32
    %dma_start3A_53 = arith.constant 0 : i32
    %dma_start3A_54 = tpu.memref_slice %arg7[%dma_start3A_52, %dma_start3A_53] : memref<128x128xf32, #tpu.memory_space<vmem>> -> memref<64x128xf32, #tpu.memory_space<vmem>>
    %dma_start3A_55 = arith.constant 0 : i32
    %dma_start3A_56 = tpu.memref_slice %arg4[%add3A_51, %dma_start3A_55] : memref<4096x128xf32, #tpu.memory_space<hbm>> -> memref<64x128xf32, #tpu.memory_space<hbm>>
    %dma_start3A_57 = arith.constant 0 : i32
    %dma_start3A_58 = tpu.memref_slice %arg4[%add3A_51, %dma_start3A_57] : memref<4096x128xf32, #tpu.memory_space<hbm>> -> memref<64x128xf32, #tpu.memory_space<hbm>>
    %dma_start3A_59 = arith.constant 64 : i32
    %dma_start3A_60 = arith.constant 0 : i32
    %dma_start3A_61 = tpu.memref_slice %arg7[%dma_start3A_59, %dma_start3A_60] : memref<128x128xf32, #tpu.memory_space<vmem>> -> memref<64x128xf32, #tpu.memory_space<vmem>>
    tpu.enqueue_dma source(%dma_start3A_61 : memref<64x128xf32, #tpu.memory_space<vmem>>) target(%dma_start3A_58 : memref<64x128xf32, #tpu.memory_space<hbm>>) target_semaphore(%arg10 : memref<!tpu.dma_semaphore, #tpu.memory_space<semaphore_mem>>)
    %dma_wait3A_62 = arith.constant 0 : i32
    %dma_wait3A_63 = arith.constant 0 : i32
    %dma_wait3A_64 = tpu.memref_slice %arg7[%dma_wait3A_62, %dma_wait3A_63] : memref<128x128xf32, #tpu.memory_space<vmem>> -> memref<64x128xf32, #tpu.memory_space<vmem>>
    %dma_wait3A_65 = arith.constant 0 : i32
    %dma_wait3A_66 = tpu.memref_slice %arg4[%mul3A_31, %dma_wait3A_65] : memref<4096x128xf32, #tpu.memory_space<hbm>> -> memref<64x128xf32, #tpu.memory_space<hbm>>
    %dma_wait3A_67 = arith.constant 0 : i32
    %dma_wait3A_68 = tpu.memref_slice %arg4[%mul3A_31, %dma_wait3A_67] : memref<4096x128xf32, #tpu.memory_space<hbm>> -> memref<64x128xf32, #tpu.memory_space<hbm>>
    %dma_wait3A_69 = arith.constant 0 : i32
    %dma_wait3A_70 = arith.constant 0 : i32
    %dma_wait3A_71 = tpu.memref_slice %arg7[%dma_wait3A_69, %dma_wait3A_70] : memref<128x128xf32, #tpu.memory_space<vmem>> -> memref<64x128xf32, #tpu.memory_space<vmem>>
    tpu.wait_dma2 semaphore(%arg10 : memref<!tpu.dma_semaphore, #tpu.memory_space<semaphore_mem>>) src(%dma_wait3A_71 : memref<64x128xf32, #tpu.memory_space<vmem>>) dst(%dma_wait3A_68 : memref<64x128xf32, #tpu.memory_space<hbm>>)
    %dma_wait3A_72 = arith.constant 64 : i32
    %dma_wait3A_73 = arith.constant 0 : i32
    %dma_wait3A_74 = tpu.memref_slice %arg7[%dma_wait3A_72, %dma_wait3A_73] : memref<128x128xf32, #tpu.memory_space<vmem>> -> memref<64x128xf32, #tpu.memory_space<vmem>>
    %dma_wait3A_75 = arith.constant 0 : i32
    %dma_wait3A_76 = tpu.memref_slice %arg4[%add3A_51, %dma_wait3A_75] : memref<4096x128xf32, #tpu.memory_space<hbm>> -> memref<64x128xf32, #tpu.memory_space<hbm>>
    %dma_wait3A_77 = arith.constant 0 : i32
    %dma_wait3A_78 = tpu.memref_slice %arg4[%add3A_51, %dma_wait3A_77] : memref<4096x128xf32, #tpu.memory_space<hbm>> -> memref<64x128xf32, #tpu.memory_space<hbm>>
    %dma_wait3A_79 = arith.constant 64 : i32
    %dma_wait3A_80 = arith.constant 0 : i32
    %dma_wait3A_81 = tpu.memref_slice %arg7[%dma_wait3A_79, %dma_wait3A_80] : memref<128x128xf32, #tpu.memory_space<vmem>> -> memref<64x128xf32, #tpu.memory_space<vmem>>
    tpu.wait_dma2 semaphore(%arg10 : memref<!tpu.dma_semaphore, #tpu.memory_space<semaphore_mem>>) src(%dma_wait3A_81 : memref<64x128xf32, #tpu.memory_space<vmem>>) dst(%dma_wait3A_78 : memref<64x128xf32, #tpu.memory_space<hbm>>)
    return
  }
}

module attributes {stable_mosaic.version = 14 : i64} {
  func.func @_copy_body(%arg0: i32, %arg1: i32, %arg2: memref<1x5000x128xf32, #tpu.memory_space<vmem>>, %arg3: memref<1x5000x128xf32, #tpu.memory_space<vmem>>) attributes {dimension_semantics = [#tpu.dimension_semantics<arbitrary>, #tpu.dimension_semantics<arbitrary>], iteration_bounds = array<i64: 16, 2>, scalar_prefetch = 0 : i64, scratch_operands = 0 : i64, tpu.core_type = #tpu.core_type<tc>, window_params = [{transform_indices = @transform_0, window_bounds = array<i64: 1, 5000, 128>}, {transform_indices = @transform_1, window_bounds = array<i64: 1, 5000, 128>}]} {
    %get3A = arith.constant 0 : index
    %get3A_0 = arith.constant 0 : index
    %get3A_1 = arith.constant 0 : index
    %get3A_2 = vector.load %arg2[%get3A, %get3A_0, %get3A_1] : memref<1x5000x128xf32, #tpu.memory_space<vmem>>, vector<1x5000x128xf32>
    %swap3A = arith.constant 0 : index
    %swap3A_3 = arith.constant 0 : index
    %swap3A_4 = arith.constant 0 : index
    %swap3A_5 = vector.load %arg3[%swap3A, %swap3A_3, %swap3A_4] : memref<1x5000x128xf32, #tpu.memory_space<vmem>>, vector<1x5000x128xf32>
    tpu.vector_store %arg3[%swap3A, %swap3A_3, %swap3A_4], %get3A_2 {strides = array<i32>} : memref<1x5000x128xf32, #tpu.memory_space<vmem>>, vector<1x5000x128xf32>,
    return
  }
  func.func @transform_0(%arg0: i32, %arg1: i32) -> (i32, i32, i32) {
    %c0_i32 = arith.constant 0 : i32
    %c0_i32_0 = arith.constant 0 : i32
    return %arg0, %arg1, %c0_i32 : i32, i32, i32
  }
  func.func @transform_1(%arg0: i32, %arg1: i32) -> (i32, i32, i32) {
    %c0_i32 = arith.constant 0 : i32
    %c0_i32_0 = arith.constant 0 : i32
    return %arg0, %arg1, %c0_i32 : i32, i32, i32
  }
}

</mosaic_0001>

<sc_bundles>
// kernel: kernel.4.cloned.1.call-start
scs
__scs_entry_jumppad:
0x0: {  	(pc) =	sbr.rel $0x88, $3  }
0x1: {  	(tag) =	ssettag $0x0;
	lr =	simm.s32 $0x1  }
0x2: {  	[smem:$0x3F9F] =	sst lr;
	_ =	strace $0xD0000000  }
0x3: {  	_ = 	snop  }
0x4: {  	_ = 	snop  }
0x5: {  	_ = 	snop  }
0x6: {  	_ = 	snop  }
0x7: {  	_ = 	snop  }
__scs_overlays_trampoline_lowered:
0x8: {  	[smem:$0x3FAE] =	sst s0  }
0x9: {  	[smem:$0x3FAF] =	sst s1  }
0xa: {  	[smem:$0x3FB0] =	sst s2  }
0xb: {  	[smem:$0x3FB1] =	sst s3  }
0xc: {  	[smem:$0x3FB2] =	sst s4  }
0xd: {  	[smem:$0x3FB3] =	sst s5  }
0xe: {  	[smem:$0x3FB4] =	sst s6  }
0xf: {  	[smem:$0x3FB5] =	sst s7  }
0x10: {  	[smem:$0x3FB6] =	sst s8  }
0x11: {  	[smem:$0x3FB7] =	sst s9;
	s0 =	simm.s32 @!p0 $0x0  }
0x12: {  	s1 =	sld [smem:$0x3F9D];
	s0 =	simm.s32 @p0 $0x1  }
0x13: {  	[smem:$0x3FB8] =	sst s0;
	s0 =	simm.s32 @!p1 $0x0  }
0x14: {  	s2 =	sld [smem:$0x3F9C];
	s0 =	simm.s32 @p1 $0x1  }
0x15: {  	[smem:$0x3FB9] =	sst s0;
	s0 =	simm.s32 @!p2 $0x0  }
0x16: {  	s3 =	sld [smem:$0x3FDB];
	s0 =	simm.s32 @p2 $0x1  }
0x17: {  	s4 =	simm.s32 $0x1BF5;
	[smem:$0x3FBB] =	sst s0  }
0x18: {  	s0 =	sld [smem:$0x3F9E];
	_ =	swait.ge [sflag:s4], $0x0  }
0x19: {  	s7 =	sld [smem:$0x3F9F]  }
0x1a: {  	s8 =	sadd.s32 $0xFFFFE003, lr  }
0x1b: {  	s9 =	sadd.s32 $0xFFFFFEF7, lr;
	s5 =	simm.s32 $0xFFFFFFFF;
	p2 =	slt.u32 s8, $0xFFFFF086  }
0x1c: {  	p1 =	slt.u32 s9, $0xF7A;
	s5 =	simm.s32 @!p2 $0x0  }
0x1d: {  	s5 =	simm.s32 @p1 $0x1;
	p0 =	seq.s32 s7, s2  }
0x1e: {  	s7 =	smul.u32 @!p0 $0xF7A, s2;
	p2 =	seq.s32 @!p0 s5, $0x0  }
0x1f: {  	s9 =	smul.u32 $0xF7A, s1;
	s8 =	simm.s32 @!p0 $0x1BF5;
	p2 =	por !p2, p0  }
0x20: {  	[sflag:s8] =	ssyncset.s32 @!p0 $0xFFFFF086;
	s6 =	sadd.s32 @!p0 s3, s7;
	s7 =	simm.s32 @!p0 $0x108  }
0x21: {  	s3 =	sadd.s32 s3, s9;
	s6 =	sadd.s32 @!p0 $0x88, s6;
	s7 =	simm.s32 @p2 $0x1082  }
0x22: {  	[simem:s7], [sflag:s8] =	dma.local @!p0 [hbm:s6], $0xF7A  }
0x23: {  	s9 =	sor.u32 $0xD0000000, s2;
	s6 =	simm.s32 $0x108;
	_ =	swait.ge @!p0 [sflag:s8], $0x0  }
0x24: {  	s3 =	sadd.s32 $0x88, s3;
	s6 =	simm.s32 @!p1 $0x1082;
	[sflag:s4] =	ssyncset.s32 $0xFFFFF086  }
0x25: {  	[simem:s6], [sflag:s4] =	dma.local [hbm:s3], $0xF7A  }
0x26: {  	[smem:$0x3F9F] =	sst s1;
	(tag) =	ssettag s2;
	_ =	strace s9  }
0x27: {  	s1 =	sld [smem:$0x3FAF]  }
0x28: {  	s2 =	sld [smem:$0x3FB0]  }
0x29: {  	s4 =	sld [smem:$0x3FB2]  }
0x2a: {  	p0 =	seq.s32 s5, $0x0;
	s5 =	sld [smem:$0x3FB3]  }
0x2b: {  	s6 =	sld [smem:$0x3FB4]  }
0x2c: {  	s7 =	sld [smem:$0x3FB5]  }
0x2d: {  	s3 =	simm.s32 $0x108;
	s8 =	sld [smem:$0x3FB6]  }
0x2e: {  	s3 =	simm.s32 @!p0 $0x1082;
	s9 =	sld [smem:$0x3FB7]  }
0x2f: {  	lr =	sadd.s32 s0, s3;
	s0 =	sld [smem:$0x3FAE]  }
0x30: {  	s3 =	sld [smem:$0x3FB1]  }
0x31: {  	[smem:$0x3FBA] =	sst s10  }
0x32: {  	s10 =	sld [smem:$0x3FB8];
	_ =	sdelay $0x3  }
0x33: {  	p0 =	seq.s32 s10, $0x1;
	s10 =	sld [smem:$0x3FBA];
	_ =	sdelay $0x3  }
0x34: {  	[smem:$0x3FBA] =	sst s10  }
0x35: {  	s10 =	sld [smem:$0x3FB9];
	_ =	sdelay $0x3  }
0x36: {  	p1 =	seq.s32 s10, $0x1;
	s10 =	sld [smem:$0x3FBA];
	_ =	sdelay $0x3  }
0x37: {  	[smem:$0x3FBA] =	sst s10  }
0x38: {  	s10 =	sld [smem:$0x3FBB]  }
0x39: {  	_ = 	snop;
	(pc) =	sbr.ind lr, $3  }
0x3a: {  	_ = 	snop  }
0x3b: {  	_ = 	snop  }
0x3c: {  	p2 =	seq.s32 s10, $0x1;
	s10 =	sld [smem:$0x3FBA]  }
0x3d: {  	_ =	shalt  }
0x3e: {  	_ =	shalt  }
0x3f: {  	_ =	shalt  }
0x40: {  	_ =	shalt  }
0x41: {  	_ =	shalt  }
0x42: {  	_ =	shalt  }
0x43: {  	_ =	shalt  }
0x44: {  	_ =	shalt  }
0x45: {  	_ =	shalt  }
0x46: {  	_ =	shalt  }
0x47: {  	_ =	shalt  }
0x48: {  	_ =	shalt  }
0x49: {  	_ =	shalt  }
0x4a: {  	_ =	shalt  }
0x4b: {  	_ =	shalt  }
0x4c: {  	_ =	shalt  }
0x4d: {  	_ =	shalt  }
0x4e: {  	_ =	shalt  }
0x4f: {  	_ =	shalt  }
0x50: {  	_ =	shalt  }
0x51: {  	_ =	shalt  }
0x52: {  	_ =	shalt  }
0x53: {  	_ =	shalt  }
0x54: {  	_ =	shalt  }
0x55: {  	_ =	shalt  }
0x56: {  	_ =	shalt  }
0x57: {  	_ =	shalt  }
0x58: {  	_ =	shalt  }
0x59: {  	_ =	shalt  }
0x5a: {  	_ =	shalt  }
0x5b: {  	_ =	shalt  }
0x5c: {  	_ =	shalt  }
0x5d: {  	_ =	shalt  }
0x5e: {  	_ =	shalt  }
0x5f: {  	_ =	shalt  }
0x60: {  	_ =	shalt  }
0x61: {  	_ =	shalt  }
0x62: {  	_ =	shalt  }
0x63: {  	_ =	shalt  }
0x64: {  	_ =	shalt  }
0x65: {  	_ =	shalt  }
0x66: {  	_ =	shalt  }
0x67: {  	_ =	shalt  }
0x68: {  	_ =	shalt  }
0x69: {  	_ =	shalt  }
0x6a: {  	_ =	shalt  }
0x6b: {  	_ =	shalt  }
0x6c: {  	_ =	shalt  }
0x6d: {  	_ =	shalt  }
0x6e: {  	_ =	shalt  }
0x6f: {  	_ =	shalt  }
0x70: {  	_ =	shalt  }
0x71: {  	_ =	shalt  }
0x72: {  	_ =	shalt  }
0x73: {  	_ =	shalt  }
0x74: {  	_ =	shalt  }
0x75: {  	_ =	shalt  }
0x76: {  	_ =	shalt  }
0x77: {  	_ =	shalt  }
0x78: {  	_ =	shalt  }
0x79: {  	_ =	shalt  }
0x7a: {  	_ =	shalt  }
0x7b: {  	_ =	shalt  }
0x7c: {  	_ =	shalt  }
0x7d: {  	_ =	shalt  }
0x7e: {  	_ =	shalt  }
0x7f: {  	_ =	shalt  }
0x80: {  	_ =	shalt  }
0x81: {  	_ =	shalt  }
0x82: {  	_ =	shalt  }
0x83: {  	_ =	shalt  }
0x84: {  	_ =	shalt  }
0x85: {  	_ =	shalt  }
0x86: {  	_ =	shalt  }
0x87: {  	_ =	shalt  }
.Lfunc_end0:
.L_simem_size_0:
called_computation_lowered:
.L_overlay_start_0:
0x88: {  	s2 =	sld [smem:$0x3FD9]  }
0x89: {  	s3 =	sld [smem:$0x3FFE];
	_ =	sdelay $0x1  }
0x8a: {  	s1 =	srdreg.scid  }
0x8b: {  	s0 =	sand.u32 $0x1, s1  }
0x8c: {  	s17 =	sshll.u32 s0, $0xA;
	s2 =	sadd.s32 s3, s2  }
0x8d: {  	s2 =	sadd.s32 s2, s17  }
0x8e: {  	[smem:$0x3FC6] =	sst s2  }
0x8f: {  	_ = 	snop  }
0x90: {  	s2 =	sld [smem:$0x3FC9];
	(tm) =	ssettm $0x1  }
0x91: {  	s18 =	sld [smem:$0x3FFB];
	_ =	sdelay $0x3  }
0x92: {  	_ =	strace s18  }
0x93: {  	s3 =	sld [smem:$0x3FFC];
	_ =	sdelay $0x3  }
0x94: {  	_ =	strace s3  }
0x95: {  	s3 =	sld [smem:$0x3FFD];
	_ =	sdelay $0x3  }
0x96: {  	_ =	strace s3  }
0x97: {  	_ =	strace $0x8FFFFFFF  }
0x98: {  	s19 =	sld [smem:$0x3FDB];
	_ =	sdelay $0x1  }
0x99: {  	s4 =	simm.s32 $_scs_section_size  }
0x9a: {  	s5 =	simm.s32 $_size__tile_overlayer_lowered;
	s6 =	simm.s32 $_tile_overlayer_lowered  }
0x9b: {  	s22 =	simm.s32 $0x1BFF;
	s21 =	sshll.u32 s6, $0x1;
	s3 =	sadd.s32 s4, s19  }
0x9c: {  	s7 =	simm.s32 $0x0;
	s20 =	sshll.u32 s5, $0x1;
	s5 =	sadd.s32 s21, s3  }
0x9d: {  	[timem:s7], [sflag:s22] =	dma.local [hbm:s5], s20  }
0x9e: {  	_ =	swait.ge [sflag:s22], s20  }
0x9f: {  	s4 =	ssub.s32 $0x0, s20;
	[sflag:s22] =	ssyncset.done $0x0  }
0xa0: {  	[sflag:s22] =	ssyncadd.s32 s4;
	_ =	sdelay $0x1  }
0xa1: {  	s23 =	simm.s32 $0x1B8B  }
0xa2: {  	_ =	swait.ge [sflag:s23], $0x1  }
0xa3: {  	[sflag:s23] =	ssyncset.done $0x0  }
0xa4: {  	s25 =	simm.s32 $0x1B8E;
	s24 =	sld [smem:$0x3FFE];
	[sflag:s23] =	ssyncadd.s32 $0xFFFFFFFF  }
0xa5: {  	s26 =	simm.s32 $execute0_lowered;
	[smem:$0x3FD2] =	sst s25  }
0xa6: {  	s5 =	sshll.u32 s26, $0x1;
	_ =	strace $0x80000046;
	[dreg:$0x1] =	wrdreg $0xFFFFFFFF  }
0xa7: {  	s28 =	simm.s32 $_size_execute0_lowered;
	s3 =	sadd.s32 s3, s5;
	[dreg:$0x0] =	wrdreg $0x0  }
0xa8: {  	s5 =	sshll.u32 s28, $0x1;
	[dreg:$0x2] =	wrdreg s3  }
0xa9: {  	[dreg:$0x3] =	wrdreg s5  }
0xaa: {  	[dreg:$0x4] =	wrdreg $0xC0  }
0xab: {  	_ =	task [dreg:s7], $0x5FFFF  }
0xac: {  	[dreg:$0x1] =	wrdreg $0xFFFFFFFF  }
0xad: {  	[dreg:$0x0] =	wrdreg $0x60  }
0xae: {  	[dreg:$0x2] =	wrdreg s2  }
0xaf: {  	[dreg:$0x3] =	wrdreg s24  }
0xb0: {  	[dreg:$0x4] =	wrdreg $0x9  }
0xb1: {  	_ =	task.clear_ibuf [dreg:s7], $0x5FFFF;
	_ =	strace $0x90000046  }
0xb2: {  	s29 =	simm.s32 $0x9;
	_ =	strace $0x80000048  }
0xb3: {  	_ =	swait.ge [sflag:s29], $0x1  }
0xb4: {  	[sflag:s29] =	ssyncadd.s32 $0xFFFFFFFF  }
0xb5: {  	_ =	strace $0x90000048  }
0xb6: {  	_ =	sfence  }
0xb7: {  	s30 =	sld [smem:$0x0];
	_ =	sdelay $0x2  }
0xb8: {  	s31 =	sshll.u32 s1, $0xD;
	s1 =	sshrl.u32 s1, $0x2  }
0xb9: {  	s3 =	sand.u32 $0x4000, s31;
	s1 =	sadd.s32 s1, s30  }
0xba: {  	s0 =	sor.u32 s3, s0;
	s1 =	sshll.u32 s1, $0x11  }
0xbb: {  	s0 =	sor.u32 s1, s0  }
0xbc: {  	s0 =	sadd.s32 $0x8F2B, s0  }
0xbd: {  	[sflag:s0] =	ssyncadd.remote.s32 $0x1  }
0xbe: {  	_ =	sfence.sel $0xFFFF  }
0xbf: {  	[dreg:$0x0] =	wrdreg $0xFFFFFFFF;
	(pc) =	sbr.abs _section_cstart, $3  }
0xc0: {  	[dreg:$0x1] =	wrdreg $0xFFFFFFFF  }
0xc1: {  	_ =	task.clear_ibuf [dreg:s7], $0x2FFFF;
	_ =	strace $0x9FFFFFFF  }
0xc2: {  	(tm) =	ssettm $0x7FFFFFFF  }
0xc3: {  	_ =	shalt  }
tec
execute0_lowered:
.L_overlay_start_1:
0x0: {  	(tag) =	ssettag $0x1  }
0x1: {  	s1 =	rddreg [dreg:$0x0]  }
0x2: {  	s4 =	rddreg [dreg:$0x1]  }
0x3: {  	s0 =	rddreg [dreg:$0x2];
	s3 =	simm.s32 $0x0;
	s5 =	srdreg.scid  }
0x4: {  	s2 =	stileid.u32;
	s9 =	simm.s32 $0x3;
	s10 =	simm.s32 $0x80  }
0x5: {  	s11 =	simm.s32 $0xC080;
	s12 =	simm.s32 $0x4000;
	s13 =	simm.s32 $0x1  }
0x6: {  	s14 =	simm.s32 $0x8000;
	s15 =	simm.s32 $0xA000;
	s16 =	simm.s32 $0x2  }
0x7: {  	[smem:$0x7FF] =	sst s3;
	s5 =	sand.u32 $0x1, s5;
	s6 =	sshll.u32 s2, $0x1  }
0x8: {  	s17 =	simm.s32 $0x0;
	_ =	strace $0x80000047;
	s6 =	sor.u32 s5, s6  }
0x9: {  	s5 =	ssub.s32 $0x2, s5;
	s7 =	sshll.u32 s6, $0x5;
	s6 =	sshll.u32 s6, $0xB  }
0xa: {  	s31 =	sshrl.u32 s5, $0x1;
	s7 =	sadd.s32 s7, s4;
	s6 =	sadd.s32 s6, s4  }
0xb: {  	s8 =	ssub.s32 s5, s31;
	s4 =	sadd.s32 $0x600, s7;
	s5 =	sadd.s32 $0xA00, s6  }
0xc: {  	s6 =	sadd.s32 $0xE00, s6;
	s7 =	smax.u32 s8, $0x1;
	s8 =	simm.s32 $0xC000  }
.LBB2_1:
0xd: {  	[tilespmem:s8], [sflag:$0x3] =	stream.linear.gather [hbm4b:s4+s3], $0x100, $0x38;
	[tilespmem:$0xC100] =	vst v63  }
0xe: {  	_ =	swait.ge [sflag:s9], $0x100  }
0xf: {  	[sflag:s9] =	ssyncset.done $0x0  }
0x10: {  	[sflag:s9] =	ssyncadd.s32 $0xFFFFFF00  }
0x11: {  	[tilespmem:s3], [sflag:$0x1] =	stream.indirect.gather [hbm4b:s1+s10], $0x80, s8, s10, $0xb8;
	[tilespmem:$0xC100] =	vst v63  }
0x12: {  	_ = 	snop  }
0x13: {  	[tilespmem:s12], [sflag:$0x1] =	stream.indirect.gather [hbm4b:s1+s10], $0x80, s11, s10, $0xb8;
	[tilespmem:$0xC100] =	vst v63  }
0x14: {  	_ =	swait.ge [sflag:s13], $0x4000  }
0x15: {  	[sflag:s13] =	ssyncset.done $0x0  }
0x16: {  	[sflag:s13] =	ssyncadd.s32 $0xFFFFC000  }
0x17: {  	_ =	swait.ge [sflag:s13], $0x4000  }
0x18: {  	[sflag:s13] =	ssyncset.done $0x0  }
0x19: {  	s18 =	simm.s32 $0x0;
	[sflag:s13] =	ssyncadd.s32 $0xFFFFC000  }
0x1a: {  	v0 =	vld [tilespmem:s18+$0xF0]  }
0x1b: {  	v1 =	vld [tilespmem:s18+$0x40F0]  }
0x1c: {  	v2 =	vld [tilespmem:s18+$0x0]  }
0x1d: {  	v3 =	vld [tilespmem:s18+$0x4000]  }
0x1e: {  	v4 =	vld [tilespmem:s18+$0x10]  }
0x1f: {  	v5 =	vld [tilespmem:s18+$0x4010]  }
0x20: {  	v6 =	vld [tilespmem:s18+$0x20]  }
0x21: {  	v7 =	vld [tilespmem:s18+$0x30];
	v0 =	vadd.f32 v1, v0  }
0x22: {  	v1 =	vld [tilespmem:s18+$0x4020];
	v2 =	vadd.f32 v3, v2  }
0x23: {  	v8 =	vld [tilespmem:s18+$0x40];
	v0 =	vmul.f32 $5.000000000e-01, v0  }
0x24: {  	v3 =	vld [tilespmem:s18+$0x4030];
	v2 =	vmul.f32 $5.000000000e-01, v2  }
0x25: {  	[tilespmem:s18+$0x80F0] =	vst v0;
	v0 =	vadd.f32 v5, v4;
	v4 =	vld [tilespmem:s18+$0x4040]  }
0x26: {  	[tilespmem:s18+$0x8000] =	vst v2;
	v2 =	vld [tilespmem:s18+$0x50]  }
0x27: {  	v5 =	vld [tilespmem:s18+$0x4050];
	v1 =	vadd.f32 v1, v6;
	v0 =	vmul.f32 $5.000000000e-01, v0  }
0x28: {  	v6 =	vld [tilespmem:s18+$0x4060]  }
0x29: {  	v3 =	vadd.f32 v3, v7;
	[tilespmem:s18+$0x8010] =	vst v0;
	v0 =	vmul.f32 $5.000000000e-01, v1;
	v1 =	vld [tilespmem:s18+$0x60]  }
0x2a: {  	v7 =	vld [tilespmem:s18+$0x4070]  }
0x2b: {  	v4 =	vadd.f32 v4, v8;
	[tilespmem:s18+$0x8020] =	vst v0;
	v0 =	vmul.f32 $5.000000000e-01, v3;
	v3 =	vld [tilespmem:s18+$0x70]  }
0x2c: {  	v2 =	vadd.f32 v5, v2;
	v5 =	vld [tilespmem:s18+$0x4080]  }
0x2d: {  	[tilespmem:s18+$0x8030] =	vst v0;
	v0 =	vmul.f32 $5.000000000e-01, v4;
	v4 =	vld [tilespmem:s18+$0x80]  }
0x2e: {  	v1 =	vadd.f32 v6, v1;
	v6 =	vld [tilespmem:s18+$0x4090]  }
0x2f: {  	[tilespmem:s18+$0x8040] =	vst v0;
	v0 =	vmul.f32 $5.000000000e-01, v2;
	v2 =	vld [tilespmem:s18+$0x90]  }
0x30: {  	v3 =	vadd.f32 v7, v3;
	v7 =	vld [tilespmem:s18+$0x40A0]  }
0x31: {  	[tilespmem:s18+$0x8050] =	vst v0;
	v0 =	vmul.f32 $5.000000000e-01, v1;
	v1 =	vld [tilespmem:s18+$0xA0]  }
0x32: {  	v8 =	vld [tilespmem:s18+$0xB0]  }
0x33: {  	[tilespmem:s18+$0x8060] =	vst v0;
	v0 =	vmul.f32 $5.000000000e-01, v3;
	v3 =	vadd.f32 v5, v4;
	v4 =	vld [tilespmem:s18+$0x40B0]  }
0x34: {  	v9 =	vld [tilespmem:s18+$0xC0]  }
0x35: {  	v2 =	vadd.f32 v6, v2;
	v6 =	vld [tilespmem:s18+$0x40C0];
	[tilespmem:s18+$0x8070] =	vst v0;
	v0 =	vmul.f32 $5.000000000e-01, v3  }
0x36: {  	v3 =	vld [tilespmem:s18+$0x40D0];
	v1 =	vadd.f32 v7, v1  }
0x37: {  	[tilespmem:s18+$0x8080] =	vst v0;
	v0 =	vmul.f32 $5.000000000e-01, v2;
	v2 =	vld [tilespmem:s18+$0xD0]  }
0x38: {  	v5 =	vmul.f32 $5.000000000e-01, v1;
	v7 =	vadd.f32 v4, v8;
	v4 =	vld [tilespmem:s18+$0x40E0]  }
0x39: {  	s19 =	simm.s32 $0x100;
	[tilespmem:s18+$0x8090] =	vst v0;
	v0 =	vld [tilespmem:s18+$0xE0]  }
0x3a: {  	s20 =	simm.s32 $0x800;
	v6 =	vadd.f32 v6, v9;
	v1 =	vld [tilespmem:s19+$0xF0];
	[tilespmem:s18+$0x80A0] =	vst v5;
	v5 =	vmul.f32 $5.000000000e-01, v7  }
.LBB2_2:
0x3b: {  	p0 =	sne.s32 s20, $0x7C00;
	v7 =	vld [tilespmem:s19+$0x40F0]  }
0x3c: {  	v8 =	vld [tilespmem:s19+$0x0];
	[tilespmem:s18+$0x80B0] =	vst v5;
	v5 =	vmul.f32 $5.000000000e-01, v6;
	v2 =	vadd.f32 v3, v2  }
0x3d: {  	v3 =	vld [tilespmem:s19+$0x4000]  }
0x3e: {  	v6 =	vld [tilespmem:s19+$0x10];
	[tilespmem:s18+$0x80C0] =	vst v5;
	v2 =	vmul.f32 $5.000000000e-01, v2;
	v0 =	vadd.f32 v4, v0  }
0x3f: {  	v4 =	vld [tilespmem:s19+$0x4010]  }
0x40: {  	v5 =	vld [tilespmem:s19+$0x20];
	v1 =	vadd.f32 v7, v1;
	[tilespmem:s18+$0x80D0] =	vst v2;
	v0 =	vmul.f32 $5.000000000e-01, v0  }
0x41: {  	v2 =	vld [tilespmem:s19+$0x4020]  }
0x42: {  	v3 =	vadd.f32 v3, v8;
	v7 =	vld [tilespmem:s19+$0x30];
	v1 =	vmul.f32 $5.000000000e-01, v1;
	[tilespmem:s18+$0x80E0] =	vst v0;
	s18 =	smov.u32 s19  }
0x43: {  	v0 =	vld [tilespmem:s18+$0x4030]  }
0x44: {  	v3 =	vmul.f32 $5.000000000e-01, v3;
	v4 =	vadd.f32 v4, v6;
	v6 =	vld [tilespmem:s18+$0x40];
	[tilespmem:s18+$0x80F0] =	vst v1  }
0x45: {  	v1 =	vld [tilespmem:s18+$0x4040]  }
0x46: {  	[tilespmem:s18+$0x8000] =	vst v3;
	v3 =	vmul.f32 $5.000000000e-01, v4;
	v2 =	vadd.f32 v2, v5;
	v4 =	vld [tilespmem:s18+$0x50]  }
0x47: {  	v5 =	vld [tilespmem:s18+$0x4050]  }
0x48: {  	[tilespmem:s18+$0x8010] =	vst v3;
	v2 =	vmul.f32 $5.000000000e-01, v2;
	v0 =	vadd.f32 v0, v7;
	v3 =	vld [tilespmem:s18+$0x60]  }
0x49: {  	v7 =	vld [tilespmem:s18+$0x4060]  }
0x4a: {  	[tilespmem:s18+$0x8020] =	vst v2;
	v0 =	vmul.f32 $5.000000000e-01, v0;
	v1 =	vadd.f32 v1, v6;
	v2 =	vld [tilespmem:s18+$0x70]  }
0x4b: {  	v6 =	vld [tilespmem:s18+$0x4070]  }
0x4c: {  	[tilespmem:s18+$0x8030] =	vst v0;
	v0 =	vmul.f32 $5.000000000e-01, v1;
	v1 =	vadd.f32 v5, v4;
	v4 =	vld [tilespmem:s18+$0x80]  }
0x4d: {  	v5 =	vld [tilespmem:s18+$0x4080]  }
0x4e: {  	[tilespmem:s18+$0x8040] =	vst v0;
	v0 =	vmul.f32 $5.000000000e-01, v1;
	v1 =	vadd.f32 v7, v3;
	v3 =	vld [tilespmem:s18+$0x90]  }
0x4f: {  	v7 =	vld [tilespmem:s18+$0x4090]  }
0x50: {  	[tilespmem:s18+$0x8050] =	vst v0;
	v0 =	vmul.f32 $5.000000000e-01, v1;
	v1 =	vadd.f32 v6, v2;
	v2 =	vld [tilespmem:s18+$0xA0]  }
0x51: {  	v6 =	vld [tilespmem:s18+$0x40A0]  }
0x52: {  	[tilespmem:s18+$0x8060] =	vst v0;
	v0 =	vmul.f32 $5.000000000e-01, v1;
	v1 =	vadd.f32 v5, v4;
	v4 =	vld [tilespmem:s18+$0xB0]  }
0x53: {  	v5 =	vld [tilespmem:s18+$0x40B0]  }
0x54: {  	[tilespmem:s18+$0x8070] =	vst v0;
	v0 =	vmul.f32 $5.000000000e-01, v1;
	v1 =	vadd.f32 v7, v3;
	v7 =	vld [tilespmem:s18+$0xC0]  }
0x55: {  	v8 =	vld [tilespmem:s18+$0x40C0]  }
.Ltmp0:
0x56: {  	[tilespmem:s18+$0x8080] =	vst v0;
	v0 =	vmul.f32 $5.000000000e-01, v1;
	v1 =	vadd.f32 v6, v2;
	v2 =	vld [tilespmem:s18+$0xD0];
	(pc) =	sbr.rel @p0 .LBB2_2-.Ltmp0, $4  }
0x57: {  	v3 =	vld [tilespmem:s18+$0x40D0]  }
0x58: {  	[tilespmem:s18+$0x8090] =	vst v0;
	v6 =	vmul.f32 $5.000000000e-01, v1;
	v5 =	vadd.f32 v5, v4;
	v0 =	vld [tilespmem:s18+$0xE0]  }
0x59: {  	s19 =	sshra.s32 s20, $0x2;
	v4 =	vld [tilespmem:s18+$0x40E0]  }
0x5a: {  	s20 =	sadd.s32 $0x400, s20;
	v1 =	vld [tilespmem:s19+$0xF0];
	[tilespmem:s18+$0x80A0] =	vst v6;
	v5 =	vmul.f32 $5.000000000e-01, v5;
	v6 =	vadd.f32 v8, v7  }
0x5b: {  	v7 =	vld [tilespmem:s19+$0x40F0]  }
0x5c: {  	v8 =	vld [tilespmem:s19+$0x0];
	[tilespmem:s18+$0x80B0] =	vst v5;
	v5 =	vmul.f32 $5.000000000e-01, v6;
	v2 =	vadd.f32 v3, v2  }
0x5d: {  	v6 =	vld [tilespmem:s19+$0x4000]  }
0x5e: {  	v3 =	vld [tilespmem:s19+$0x10];
	[tilespmem:s18+$0x80C0] =	vst v5;
	v2 =	vmul.f32 $5.000000000e-01, v2;
	v0 =	vadd.f32 v4, v0  }
0x5f: {  	v5 =	vld [tilespmem:s19+$0x4010]  }
0x60: {  	v4 =	vld [tilespmem:s19+$0x20];
	[tilespmem:s18+$0x80D0] =	vst v2;
	v0 =	vmul.f32 $5.000000000e-01, v0  }
0x61: {  	v1 =	vadd.f32 v7, v1;
	v2 =	vld [tilespmem:s19+$0x4020]  }
0x62: {  	v7 =	vld [tilespmem:s19+$0x30];
	[tilespmem:s18+$0x80E0] =	vst v0  }
0x63: {  	v0 =	vadd.f32 v6, v8;
	v1 =	vmul.f32 $5.000000000e-01, v1;
	v6 =	vld [tilespmem:s19+$0x4030]  }
0x64: {  	v8 =	vld [tilespmem:s19+$0x40]  }
0x65: {  	v9 =	vld [tilespmem:s19+$0x40E0];
	v0 =	vmul.f32 $5.000000000e-01, v0;
	[tilespmem:s19+$0x80F0] =	vst v1;
	v1 =	vadd.f32 v5, v3  }
0x66: {  	v3 =	vld [tilespmem:s19+$0x4040]  }
0x67: {  	[tilespmem:s19+$0x8000] =	vst v0;
	v0 =	vmul.f32 $5.000000000e-01, v1;
	v1 =	vld [tilespmem:s19+$0x50];
	v2 =	vadd.f32 v2, v4  }
0x68: {  	v4 =	vld [tilespmem:s19+$0x4050]  }
0x69: {  	[tilespmem:s19+$0x8010] =	vst v0;
	v0 =	vmul.f32 $5.000000000e-01, v2;
	v2 =	vld [tilespmem:s19+$0x60];
	v5 =	vadd.f32 v6, v7  }
0x6a: {  	v6 =	vld [tilespmem:s19+$0x4060]  }
0x6b: {  	v7 =	vld [tilespmem:s19+$0x4070];
	v3 =	vadd.f32 v3, v8;
	[tilespmem:s19+$0x8020] =	vst v0;
	v0 =	vmul.f32 $5.000000000e-01, v5  }
0x6c: {  	v5 =	vld [tilespmem:s19+$0x70]  }
0x6d: {  	v1 =	vadd.f32 v4, v1;
	v4 =	vld [tilespmem:s19+$0x4080];
	[tilespmem:s19+$0x8030] =	vst v0;
	v0 =	vmul.f32 $5.000000000e-01, v3  }
0x6e: {  	v3 =	vld [tilespmem:s19+$0x80]  }
0x6f: {  	v2 =	vadd.f32 v6, v2;
	v6 =	vld [tilespmem:s19+$0x4090];
	[tilespmem:s19+$0x8040] =	vst v0;
	v0 =	vmul.f32 $5.000000000e-01, v1  }
0x70: {  	v1 =	vld [tilespmem:s19+$0x90]  }
0x71: {  	v8 =	vld [tilespmem:s19+$0x40D0];
	v5 =	vadd.f32 v7, v5;
	[tilespmem:s19+$0x8050] =	vst v0;
	v0 =	vmul.f32 $5.000000000e-01, v2  }
0x72: {  	v7 =	vld [tilespmem:s19+$0x40A0]  }
0x73: {  	v2 =	vld [tilespmem:s19+$0xA0];
	v3 =	vadd.f32 v4, v3;
	[tilespmem:s19+$0x8060] =	vst v0;
	v0 =	vmul.f32 $5.000000000e-01, v5  }
0x74: {  	v4 =	vld [tilespmem:s19+$0x40B0]  }
0x75: {  	v5 =	vld [tilespmem:s19+$0xB0];
	v1 =	vadd.f32 v6, v1;
	[tilespmem:s19+$0x8070] =	vst v0;
	v0 =	vmul.f32 $5.000000000e-01, v3  }
0x76: {  	v6 =	vld [tilespmem:s19+$0x40C0]  }
0x77: {  	v3 =	vld [tilespmem:s19+$0xC0];
	[tilespmem:s19+$0x8080] =	vst v0;
	v0 =	vmul.f32 $5.000000000e-01, v1  }
0x78: {  	v1 =	vld [tilespmem:s19+$0xD0]  }
0x79: {  	[tilespmem:s19+$0x8090] =	vst v0;
	v0 =	vld [tilespmem:s19+$0xE0]  }
0x7a: {  	v2 =	vadd.f32 v7, v2  }
0x7b: {  	v4 =	vadd.f32 v4, v5  }
0x7c: {  	v2 =	vmul.f32 $5.000000000e-01, v2;
	v3 =	vadd.f32 v6, v3  }
0x7d: {  	v4 =	vmul.f32 $5.000000000e-01, v4;
	v1 =	vadd.f32 v8, v1  }
0x7e: {  	[tilespmem:s19+$0x80A0] =	vst v2;
	v2 =	vmul.f32 $5.000000000e-01, v3;
	v0 =	vadd.f32 v9, v0  }
0x7f: {  	[tilespmem:s19+$0x80B0] =	vst v4;
	v1 =	vmul.f32 $5.000000000e-01, v1  }
0x80: {  	[tilespmem:s19+$0x80C0] =	vst v2;
	v0 =	vmul.f32 $5.000000000e-01, v0  }
0x81: {  	[tilespmem:s19+$0x80D0] =	vst v1  }
0x82: {  	s31 =	simm.s32 $0x0;
	s18 =	simm.s32 $0x0;
	[tilespmem:s19+$0x80E0] =	vst v0  }
0x83: {  	[hbm4b:s5+s31] =	stream.linear.scatter [tilespmem:s14], [sflag:$0x2], $0x2000, $0x38;
	[tilespmem:$0xC100] =	vst v63  }
0x84: {  	v0 =	vld [tilespmem:s18+$0x20F0]  }
0x85: {  	v1 =	vld [tilespmem:s18+$0x60F0]  }
0x86: {  	v2 =	vld [tilespmem:s18+$0x2000]  }
0x87: {  	v3 =	vld [tilespmem:s18+$0x6000]  }
0x88: {  	v4 =	vld [tilespmem:s18+$0x2010]  }
0x89: {  	v5 =	vld [tilespmem:s18+$0x6010]  }
0x8a: {  	v6 =	vld [tilespmem:s18+$0x2020]  }
0x8b: {  	v7 =	vld [tilespmem:s18+$0x2030];
	v0 =	vadd.f32 v1, v0  }
0x8c: {  	v1 =	vld [tilespmem:s18+$0x6020];
	v2 =	vadd.f32 v3, v2  }
0x8d: {  	v8 =	vld [tilespmem:s18+$0x2040];
	v0 =	vmul.f32 $5.000000000e-01, v0  }
0x8e: {  	v3 =	vld [tilespmem:s18+$0x6030];
	v2 =	vmul.f32 $5.000000000e-01, v2  }
0x8f: {  	[tilespmem:s18+$0xA0F0] =	vst v0;
	v0 =	vadd.f32 v5, v4;
	v4 =	vld [tilespmem:s18+$0x6040]  }
0x90: {  	[tilespmem:s18+$0xA000] =	vst v2;
	v2 =	vld [tilespmem:s18+$0x2050]  }
0x91: {  	v5 =	vld [tilespmem:s18+$0x6050];
	v1 =	vadd.f32 v1, v6;
	v0 =	vmul.f32 $5.000000000e-01, v0  }
0x92: {  	v6 =	vld [tilespmem:s18+$0x6060]  }
0x93: {  	v3 =	vadd.f32 v3, v7;
	[tilespmem:s18+$0xA010] =	vst v0;
	v0 =	vmul.f32 $5.000000000e-01, v1;
	v1 =	vld [tilespmem:s18+$0x2060]  }
0x94: {  	v7 =	vld [tilespmem:s18+$0x6070]  }
0x95: {  	v4 =	vadd.f32 v4, v8;
	[tilespmem:s18+$0xA020] =	vst v0;
	v0 =	vmul.f32 $5.000000000e-01, v3;
	v3 =	vld [tilespmem:s18+$0x2070]  }
0x96: {  	v2 =	vadd.f32 v5, v2;
	v5 =	vld [tilespmem:s18+$0x6080]  }
0x97: {  	[tilespmem:s18+$0xA030] =	vst v0;
	v0 =	vmul.f32 $5.000000000e-01, v4;
	v4 =	vld [tilespmem:s18+$0x2080]  }
0x98: {  	v1 =	vadd.f32 v6, v1;
	v6 =	vld [tilespmem:s18+$0x6090]  }
0x99: {  	[tilespmem:s18+$0xA040] =	vst v0;
	v0 =	vmul.f32 $5.000000000e-01, v2;
	v2 =	vld [tilespmem:s18+$0x2090]  }
0x9a: {  	v3 =	vadd.f32 v7, v3;
	v7 =	vld [tilespmem:s18+$0x60A0]  }
0x9b: {  	[tilespmem:s18+$0xA050] =	vst v0;
	v0 =	vmul.f32 $5.000000000e-01, v1;
	v1 =	vld [tilespmem:s18+$0x20A0]  }
0x9c: {  	v8 =	vld [tilespmem:s18+$0x20B0]  }
0x9d: {  	[tilespmem:s18+$0xA060] =	vst v0;
	v0 =	vmul.f32 $5.000000000e-01, v3;
	v3 =	vadd.f32 v5, v4;
	v4 =	vld [tilespmem:s18+$0x60B0]  }
0x9e: {  	v63 =	vld [tilespmem:s18+$0x20C0]  }
0x9f: {  	v2 =	vadd.f32 v6, v2;
	v6 =	vld [tilespmem:s18+$0x60C0];
	[tilespmem:s18+$0xA070] =	vst v0;
	v0 =	vmul.f32 $5.000000000e-01, v3  }
0xa0: {  	v3 =	vld [tilespmem:s18+$0x60D0];
	v1 =	vadd.f32 v7, v1  }
0xa1: {  	[tilespmem:s18+$0xA080] =	vst v0;
	v0 =	vmul.f32 $5.000000000e-01, v2;
	v2 =	vld [tilespmem:s18+$0x20D0]  }
0xa2: {  	v5 =	vmul.f32 $5.000000000e-01, v1;
	v7 =	vadd.f32 v4, v8;
	v4 =	vld [tilespmem:s18+$0x60E0]  }
0xa3: {  	s19 =	simm.s32 $0x100;
	[tilespmem:s18+$0xA090] =	vst v0;
	v0 =	vld [tilespmem:s18+$0x20E0]  }
0xa4: {  	s20 =	simm.s32 $0x800;
	v6 =	vadd.f32 v6, v63;
	v1 =	vld [tilespmem:s19+$0x20F0];
	[tilespmem:s18+$0xA0A0] =	vst v5;
	v5 =	vmul.f32 $5.000000000e-01, v7  }
.LBB2_4:
0xa5: {  	p0 =	sne.s32 s20, $0x7C00;
	v7 =	vld [tilespmem:s19+$0x60F0]  }
0xa6: {  	v8 =	vld [tilespmem:s19+$0x2000];
	[tilespmem:s18+$0xA0B0] =	vst v5;
	v5 =	vmul.f32 $5.000000000e-01, v6;
	v2 =	vadd.f32 v3, v2  }
0xa7: {  	v3 =	vld [tilespmem:s19+$0x6000]  }
0xa8: {  	v6 =	vld [tilespmem:s19+$0x2010];
	[tilespmem:s18+$0xA0C0] =	vst v5;
	v2 =	vmul.f32 $5.000000000e-01, v2;
	v0 =	vadd.f32 v4, v0  }
0xa9: {  	v4 =	vld [tilespmem:s19+$0x6010]  }
0xaa: {  	v5 =	vld [tilespmem:s19+$0x2020];
	v1 =	vadd.f32 v7, v1;
	[tilespmem:s18+$0xA0D0] =	vst v2;
	v0 =	vmul.f32 $5.000000000e-01, v0  }
0xab: {  	v2 =	vld [tilespmem:s19+$0x6020]  }
0xac: {  	v3 =	vadd.f32 v3, v8;
	v7 =	vld [tilespmem:s19+$0x2030];
	v1 =	vmul.f32 $5.000000000e-01, v1;
	[tilespmem:s18+$0xA0E0] =	vst v0;
	s18 =	smov.u32 s19  }
0xad: {  	v0 =	vld [tilespmem:s18+$0x6030]  }
0xae: {  	v3 =	vmul.f32 $5.000000000e-01, v3;
	v4 =	vadd.f32 v4, v6;
	v6 =	vld [tilespmem:s18+$0x2040];
	[tilespmem:s18+$0xA0F0] =	vst v1  }
0xaf: {  	v1 =	vld [tilespmem:s18+$0x6040]  }
0xb0: {  	[tilespmem:s18+$0xA000] =	vst v3;
	v3 =	vmul.f32 $5.000000000e-01, v4;
	v2 =	vadd.f32 v2, v5;
	v4 =	vld [tilespmem:s18+$0x2050]  }
0xb1: {  	v5 =	vld [tilespmem:s18+$0x6050]  }
0xb2: {  	[tilespmem:s18+$0xA010] =	vst v3;
	v2 =	vmul.f32 $5.000000000e-01, v2;
	v0 =	vadd.f32 v0, v7;
	v3 =	vld [tilespmem:s18+$0x2060]  }
0xb3: {  	v7 =	vld [tilespmem:s18+$0x6060]  }
0xb4: {  	[tilespmem:s18+$0xA020] =	vst v2;
	v0 =	vmul.f32 $5.000000000e-01, v0;
	v1 =	vadd.f32 v1, v6;
	v2 =	vld [tilespmem:s18+$0x2070]  }
0xb5: {  	v6 =	vld [tilespmem:s18+$0x6070]  }
0xb6: {  	[tilespmem:s18+$0xA030] =	vst v0;
	v0 =	vmul.f32 $5.000000000e-01, v1;
	v1 =	vadd.f32 v5, v4;
	v4 =	vld [tilespmem:s18+$0x2080]  }
0xb7: {  	v5 =	vld [tilespmem:s18+$0x6080]  }
0xb8: {  	[tilespmem:s18+$0xA040] =	vst v0;
	v0 =	vmul.f32 $5.000000000e-01, v1;
	v1 =	vadd.f32 v7, v3;
	v3 =	vld [tilespmem:s18+$0x2090]  }
0xb9: {  	v7 =	vld [tilespmem:s18+$0x6090]  }
0xba: {  	[tilespmem:s18+$0xA050] =	vst v0;
	v0 =	vmul.f32 $5.000000000e-01, v1;
	v1 =	vadd.f32 v6, v2;
	v2 =	vld [tilespmem:s18+$0x20A0]  }
0xbb: {  	v6 =	vld [tilespmem:s18+$0x60A0]  }
0xbc: {  	[tilespmem:s18+$0xA060] =	vst v0;
	v0 =	vmul.f32 $5.000000000e-01, v1;
	v1 =	vadd.f32 v5, v4;
	v4 =	vld [tilespmem:s18+$0x20B0]  }
0xbd: {  	v5 =	vld [tilespmem:s18+$0x60B0]  }
0xbe: {  	[tilespmem:s18+$0xA070] =	vst v0;
	v0 =	vmul.f32 $5.000000000e-01, v1;
	v1 =	vadd.f32 v7, v3;
	v7 =	vld [tilespmem:s18+$0x20C0]  }
0xbf: {  	v8 =	vld [tilespmem:s18+$0x60C0]  }
.Ltmp1:
0xc0: {  	[tilespmem:s18+$0xA080] =	vst v0;
	v0 =	vmul.f32 $5.000000000e-01, v1;
	v1 =	vadd.f32 v6, v2;
	v2 =	vld [tilespmem:s18+$0x20D0];
	(pc) =	sbr.rel @p0 .LBB2_4-.Ltmp1, $4  }
0xc1: {  	v3 =	vld [tilespmem:s18+$0x60D0]  }
0xc2: {  	[tilespmem:s18+$0xA090] =	vst v0;
	v6 =	vmul.f32 $5.000000000e-01, v1;
	v5 =	vadd.f32 v5, v4;
	v0 =	vld [tilespmem:s18+$0x20E0]  }
0xc3: {  	s19 =	sshra.s32 s20, $0x2;
	v4 =	vld [tilespmem:s18+$0x60E0]  }
0xc4: {  	s20 =	sadd.s32 $0x400, s20;
	v1 =	vld [tilespmem:s19+$0x20F0];
	[tilespmem:s18+$0xA0A0] =	vst v6;
	v5 =	vmul.f32 $5.000000000e-01, v5;
	v6 =	vadd.f32 v8, v7  }
0xc5: {  	v7 =	vld [tilespmem:s19+$0x60F0]  }
0xc6: {  	v8 =	vld [tilespmem:s19+$0x2000];
	[tilespmem:s18+$0xA0B0] =	vst v5;
	v24 =	vmul.f32 $5.000000000e-01, v6;
	v2 =	vadd.f32 v3, v2  }
0xc7: {  	v25 =	vld [tilespmem:s19+$0x6000]  }
0xc8: {  	v26 =	vld [tilespmem:s19+$0x2010];
	[tilespmem:s18+$0xA0C0] =	vst v24;
	v2 =	vmul.f32 $5.000000000e-01, v2;
	v0 =	vadd.f32 v4, v0  }
0xc9: {  	v5 =	vld [tilespmem:s19+$0x6010]  }
0xca: {  	v27 =	vld [tilespmem:s19+$0x2020];
	[tilespmem:s18+$0xA0D0] =	vst v2;
	v0 =	vmul.f32 $5.000000000e-01, v0  }
0xcb: {  	v2 =	vld [tilespmem:s19+$0x6020]  }
0xcc: {  	v28 =	vld [tilespmem:s19+$0x2030];
	[tilespmem:s18+$0xA0E0] =	vst v0  }
0xcd: {  	v30 =	vld [tilespmem:s19+$0x6030]  }
0xce: {  	v31 =	vld [tilespmem:s19+$0x2040]  }
0xcf: {  	v33 =	vld [tilespmem:s19+$0x6040]  }
0xd0: {  	v35 =	vld [tilespmem:s19+$0x2050]  }
0xd1: {  	v36 =	vld [tilespmem:s19+$0x6050]  }
0xd2: {  	v38 =	vld [tilespmem:s19+$0x2060]  }
0xd3: {  	v40 =	vld [tilespmem:s19+$0x6060]  }
0xd4: {  	v42 =	vld [tilespmem:s19+$0x2070]  }
0xd5: {  	v43 =	vld [tilespmem:s19+$0x6070]  }
0xd6: {  	v45 =	vld [tilespmem:s19+$0x2080]  }
0xd7: {  	v46 =	vld [tilespmem:s19+$0x6080]  }
0xd8: {  	v48 =	vld [tilespmem:s19+$0x2090]  }
0xd9: {  	v1 =	vadd.f32 v7, v1;
	v49 =	vld [tilespmem:s19+$0x6090]  }
0xda: {  	v29 =	vadd.f32 v25, v8;
	v51 =	vld [tilespmem:s19+$0x20A0]  }
0xdb: {  	v1 =	vmul.f32 $5.000000000e-01, v1;
	v54 =	vld [tilespmem:s19+$0x20B0];
	v32 =	vadd.f32 v5, v26  }
0xdc: {  	v55 =	vld [tilespmem:s19+$0x60B0];
	v0 =	vmul.f32 $5.000000000e-01, v29;
	v2 =	vadd.f32 v2, v27  }
0xdd: {  	v62 =	vld [tilespmem:s19+$0x20E0];
	[tilespmem:s19+$0xA0F0] =	vst v1;
	v34 =	vmul.f32 $5.000000000e-01, v32;
	v39 =	vadd.f32 v30, v28  }
0xde: {  	v9 =	vld [tilespmem:s19+$0x60E0];
	[tilespmem:s19+$0xA000] =	vst v0;
	v37 =	vmul.f32 $5.000000000e-01, v2;
	v3 =	vadd.f32 v33, v31  }
0xdf: {  	v52 =	vld [tilespmem:s19+$0x60A0];
	[tilespmem:s19+$0xA010] =	vst v34;
	v1 =	vadd.f32 v36, v35;
	v41 =	vmul.f32 $5.000000000e-01, v39  }
0xe0: {  	v57 =	vld [tilespmem:s19+$0x20C0];
	v2 =	vadd.f32 v40, v38;
	[tilespmem:s19+$0xA020] =	vst v37;
	v44 =	vmul.f32 $5.000000000e-01, v3  }
0xe1: {  	v58 =	vld [tilespmem:s19+$0x60C0];
	v5 =	vadd.f32 v43, v42;
	v47 =	vmul.f32 $5.000000000e-01, v1;
	[tilespmem:s19+$0xA030] =	vst v41  }
0xe2: {  	v60 =	vld [tilespmem:s19+$0x20D0];
	v4 =	vadd.f32 v55, v54;
	v50 =	vmul.f32 $5.000000000e-01, v2;
	[tilespmem:s19+$0xA040] =	vst v44  }
0xe3: {  	v61 =	vld [tilespmem:s19+$0x60D0];
	v0 =	vadd.f32 v9, v62;
	v53 =	vmul.f32 $5.000000000e-01, v5;
	[tilespmem:s19+$0xA050] =	vst v47  }
0xe4: {  	v3 =	vadd.f32 v46, v45;
	v4 =	vmul.f32 $5.000000000e-01, v4;
	[tilespmem:s19+$0xA060] =	vst v50  }
0xe5: {  	v1 =	vadd.f32 v49, v48;
	v0 =	vmul.f32 $5.000000000e-01, v0;
	[tilespmem:s19+$0xA070] =	vst v53  }
0xe6: {  	v2 =	vadd.f32 v52, v51;
	v56 =	vmul.f32 $5.000000000e-01, v3;
	[tilespmem:s19+$0xA0B0] =	vst v4  }
0xe7: {  	v59 =	vmul.f32 $5.000000000e-01, v1;
	v3 =	vadd.f32 v58, v57;
	[tilespmem:s19+$0xA0E0] =	vst v0  }
0xe8: {  	v2 =	vmul.f32 $5.000000000e-01, v2;
	v1 =	vadd.f32 v61, v60;
	[tilespmem:s19+$0xA080] =	vst v56  }
0xe9: {  	[tilespmem:s19+$0xA090] =	vst v59;
	v63 =	vmul.f32 $5.000000000e-01, v3  }
0xea: {  	[tilespmem:s19+$0xA0A0] =	vst v2;
	v1 =	vmul.f32 $5.000000000e-01, v1  }
0xeb: {  	[tilespmem:s19+$0xA0C0] =	vst v63  }
0xec: {  	s17 =	sadd.s32 $0x1, s17;
	[tilespmem:s19+$0xA0D0] =	vst v1  }
0xed: {  	[hbm4b:s6+s3] =	stream.linear.scatter [tilespmem:s15], [sflag:$0x2], $0x2000, $0x38;
	[tilespmem:$0xC100] =	vst v63  }
0xee: {  	p0 =	sne.s32 s17, s7;
	_ =	swait.ge [sflag:s16], $0x2000  }
.Ltmp2:
0xef: {  	[sflag:s16] =	ssyncset.done $0x0;
	(pc) =	sbr.rel @p0 .LBB2_1-.Ltmp2, $4  }
0xf0: {  	[sflag:s16] =	ssyncadd.s32 $0xFFFFE000  }
0xf1: {  	_ =	swait.ge [sflag:s16], $0x2000  }
0xf2: {  	[sflag:s16] =	ssyncset.done $0x0  }
0xf3: {  	[sflag:s16] =	ssyncadd.s32 $0xFFFFE000  }
0xf4: {  	_ =	sfence.sel $0x180000  }
0xf5: {  	[bflag:$0x0] =	sbarrier.arrive $0xFFFF  }
0xf6: {  	p0 =	sne.s32 s2, $0x0;
	_ =	strace $0x90000047  }
0xf7: {  	s0 =	sadd.s32 @!p0 $0x100000, s0;
	[bflag:$0x2] =	sbarrier.arrive $0xFFFF  }
0xf8: {  	[sflag:s0] =	ssyncadd.tile.s32 @!p0 $0x1;
	_ =	shalt  }
.Lfunc_end2:
_tile_overlayer_lowered:
.L_overlay_start_2:
0xf9: {  	(tag) =	ssettag $0x2  }
0xfa: {  	s0 =	rddreg [dreg:$0x0];
	s2 =	stileid.u32  }
0xfb: {  	s1 =	rddreg [dreg:$0x1];
	p0 =	sne.s32 s2, $0x0  }
0xfc: {  	s3 =	rddreg [dreg:$0x2];
	[bflag:$0x3] =	sbarrier.arrive $0xFFFF;
	s2 =	simm.s32 @!p0 $0x1C03  }
0xfd: {  	[timem:s3], [sflag:s2] =	dma.local @!p0 [hbm:s0], s1  }
0xfe: {  	s0 =	simm.s32 @!p0 $0x3  }
0xff: {  	_ =	swait.ge @!p0 [sflag:s0], s1  }
0x100: {  	s1 =	ssub.s32 @!p0 $0x0, s1;
	[sflag:s0] =	ssyncset.done @!p0 $0x0  }
0x101: {  	[sflag:s0] =	ssyncadd.s32 @!p0 s1  }
0x102: {  	[bflag:$0x3] =	sbarrier.arrive $0xFFFF  }
0x103: {  	_ =	shalt  }

</sc_bundles>
